<compile_context>
chip_gen: v7x
topology: tpu7x:2x2x1
jax: 0.10.2.dev20260603
libtpu: 0.0.44.dev20260713+nightly
codegen_flags: <defaults>
</compile_context>

<pallas_src>
import jax
import jax.numpy as jnp
from jax import lax
from jax.experimental import pallas as pl
from jax.experimental.pallas import tpu as pltpu
from jax.experimental.pallas import tpu_sc as plsc

B = 1024
INPUT_DIM = 512
NB_VALUES = 256
NB_EMB = 100000
EMB_DIM = 128
HIDDEN = 1024
N_ACTIONS = 18

NC = 2
NS = 16
NW = NC * NS
BPW = B // NW
IDX_PER_W = BPW * INPUT_DIM
CHUNK = 128
CHUNKS_PER_ROW = INPUT_DIM // CHUNK
NCHUNKS = IDX_PER_W // CHUNK
NBUF = 4
RAHEAD = 8
LANES = 16
KREG = EMB_DIM // LANES


def _bag_body(x_hbm, map_hbm, emb_hbm, out_hbm,
              xv, fidx, rid, ebuf, row0, obuf, sem_map, sem_emb):
    wid = lax.axis_index("s") * NC + lax.axis_index("c")
    base = wid * BPW

    pltpu.sync_copy(x_hbm.at[pl.ds(base, BPW)], xv)
    pltpu.sync_copy(emb_hbm.at[pl.ds(0, 1)], row0)

    jota = lax.iota(jnp.int32, LANES) * NB_VALUES

    def fidx_body(g, _):
        r = g // (INPUT_DIM // LANES)
        cc = g % (INPUT_DIM // LANES)
        x = xv[r, pl.ds(cc * LANES, LANES)]
        fidx[pl.ds(g * LANES, LANES)] = x + jota + cc * (LANES * NB_VALUES)
        return 0

    lax.fori_loop(0, IDX_PER_W // LANES, fidx_body, 0)

    def remap_fire_group(g):
        def one(c, _):
            pltpu.async_copy(
                map_hbm.at[fidx.at[pl.ds(c * CHUNK, CHUNK)]],
                rid.at[pl.ds(c * CHUNK, CHUNK)],
                sem_map,
            )
            return 0

        lax.fori_loop(g * CHUNKS_PER_ROW, (g + 1) * CHUNKS_PER_ROW, one, 0)

    def remap_wait_group():
        pltpu.make_async_copy(map_hbm.at[pl.ds(0, INPUT_DIM)],
                              rid.at[pl.ds(0, INPUT_DIM)], sem_map).wait()

    def prologue_fire(g, _):
        remap_fire_group(g)
        return 0

    lax.fori_loop(0, RAHEAD, prologue_fire, 0)
    remap_wait_group()

    def fire(c, buf):
        pltpu.async_copy(
            emb_hbm.at[rid.at[pl.ds(c * CHUNK, CHUNK)]],
            ebuf.at[buf],
            sem_emb,
        )

    def wait_one():
        pltpu.make_async_copy(emb_hbm.at[pl.ds(0, CHUNK)], ebuf.at[0],
                              sem_emb).wait()

    for i in range(NBUF - 1):
        fire(i, i)

    def row_body(b_loc, _):
        @pl.when(b_loc + RAHEAD < BPW)
        def _():
            remap_fire_group(b_loc + RAHEAD)

        @pl.when(b_loc < BPW - 1)
        def _():
            remap_wait_group()

        def cnt_body(q, cv):
            v = rid[pl.ds(b_loc * INPUT_DIM + q * LANES, LANES)]
            return cv + plsc.all_reduce_population_count(v == 0)

        cnt = lax.fori_loop(0, INPUT_DIM // LANES, cnt_body,
                            jnp.zeros((LANES,), jnp.int32)).astype(jnp.float32)

        acc = tuple(-cnt * row0[0, pl.ds(k * LANES, LANES)]
                    for k in range(KREG))
        for q in range(CHUNKS_PER_ROW):
            c = b_loc * CHUNKS_PER_ROW + q
            nxt = c + NBUF - 1

            @pl.when(nxt < NCHUNKS)
            def _():
                fire(nxt, (q + NBUF - 1) % NBUF)

            wait_one()

            def acc_body(rr, a):
                return tuple(a[k] + ebuf[q, rr, pl.ds(k * LANES, LANES)]
                             for k in range(KREG))

            acc = lax.fori_loop(0, CHUNK, acc_body, acc)

        for k in range(KREG):
            obuf[b_loc, pl.ds(k * LANES, LANES)] = acc[k]
        return 0

    lax.fori_loop(0, BPW, row_body, 0)
    pltpu.sync_copy(obuf, out_hbm.at[pl.ds(base, BPW)])


@jax.jit
def _bag(x, map_flat, emb):
    mesh = plsc.VectorSubcoreMesh(core_axis_name="c", subcore_axis_name="s",
                                  num_cores=NC, num_subcores=NS)
    return pl.kernel(
        _bag_body,
        out_type=jax.ShapeDtypeStruct((B, EMB_DIM), jnp.float32),
        mesh=mesh,
        compiler_params=pltpu.CompilerParams(needs_layout_passes=False),
        scratch_types=[
            pltpu.VMEM((BPW, INPUT_DIM), jnp.int32),
            pltpu.VMEM((IDX_PER_W,), jnp.int32),
            pltpu.VMEM((IDX_PER_W,), jnp.int32),
            pltpu.VMEM((NBUF, CHUNK, EMB_DIM), jnp.float32),
            pltpu.VMEM((1, EMB_DIM), jnp.float32),
            pltpu.VMEM((BPW, EMB_DIM), jnp.float32),
            pltpu.SemaphoreType.DMA,
            pltpu.SemaphoreType.DMA,
        ],
    )(x, map_flat, emb)


def _mlp_body(bag, w1, b1, w2, b2, w3, b3, out):
    dn = (((1,), (1,)), ((), ()))
    h = jnp.maximum(bag[...], 0.0)
    h = lax.dot_general(h, w1[...], dn, preferred_element_type=jnp.float32)
    h = jnp.maximum(h + b1[...], 0.0)
    h = lax.dot_general(h, w2[...], dn, preferred_element_type=jnp.float32)
    h = jnp.maximum(h + b2[...], 0.0)
    h = lax.dot_general(h, w3[...], dn, preferred_element_type=jnp.float32)
    out[...] = jnp.maximum(h + b3[...], 0.0)


@jax.jit
def _mlp(bag, w1, b1, w2, b2, w3, b3):
    return pl.pallas_call(
        _mlp_body,
        out_shape=jax.ShapeDtypeStruct((B, N_ACTIONS), jnp.float32),
    )(bag, w1, b1, w2, b2, w3, b3)


def kernel(X, mapping_filtered, emb_weight, W1, b1, W2, b2, W3, b3):
    map_flat = mapping_filtered.reshape(-1)
    bag = _bag(X, map_flat, emb_weight)
    return _mlp(bag, W1, b1.reshape(1, HIDDEN), W2, b2.reshape(1, HIDDEN),
                W3, b3.reshape(1, N_ACTIONS))

# --- scband reference (transcript-rebuilt; emitter-appended) ---
"""Pipeline reference for scband-copain-ann-472446402610 (READ-ONLY COPY).

The authoritative reference and input builder live on the scoring server;
editing this copy changes nothing except your own understanding.
"""

import jax, jax.numpy as jnp
import numpy as np

B = 1024
INPUT_DIM = 512
NB_VALUES = 256
NB_EMB = 100000
EMB_DIM = 128
HIDDEN = 1024
N_ACTIONS = 18


def setup_inputs(seed: int = 0) -> dict:
    key = jax.random.key(seed)
    ks = jax.random.split(key, 10)
    X = jax.random.randint(ks[0], (B, INPUT_DIM), 0, NB_VALUES, dtype=jnp.int32)
    # _mapping_filtered: int lookup table [input_dim, nb_values_per_dim] -> embedding row ids.
    # (torch init is zeros; populated during training. We materialize a trained-like mapping.)
    mapping_filtered = jax.random.randint(ks[1], (INPUT_DIM, NB_VALUES), 0, NB_EMB, dtype=jnp.int32)
    emb_weight = jax.random.normal(ks[2], (NB_EMB, EMB_DIM), dtype=jnp.float32) * 0.01
    W1 = jax.random.normal(ks[3], (HIDDEN, EMB_DIM), dtype=jnp.float32) * (1.0 / np.sqrt(EMB_DIM))
    b1 = jnp.zeros((HIDDEN,), dtype=jnp.float32)
    W2 = jax.random.normal(ks[4], (HIDDEN, HIDDEN), dtype=jnp.float32) * (1.0 / np.sqrt(HIDDEN))
    b2 = jnp.zeros((HIDDEN,), dtype=jnp.float32)
    W3 = jax.random.normal(ks[5], (N_ACTIONS, HIDDEN), dtype=jnp.float32) * (1.0 / np.sqrt(HIDDEN))
    b3 = jnp.zeros((N_ACTIONS,), dtype=jnp.float32)
    return {"X": X, "mapping_filtered": mapping_filtered, "emb_weight": emb_weight,
            "W1": W1, "b1": b1, "W2": W2, "b2": b2, "W3": W3, "b3": b3}


def reference(X, mapping_filtered, emb_weight, W1, b1, W2, b2, W3, b3):
    # X_remapped[b, j] = mapping_filtered[j, X[b, j]]
    cols = jnp.arange(INPUT_DIM, dtype=jnp.int32)[None, :]
    X_remapped = mapping_filtered[cols, X]  # [B, INPUT_DIM]
    # EmbeddingBag(mode='sum', padding_idx=0): row 0 contributes zeros
    embw = emb_weight.at[0].set(0.0)
    gathered = jnp.take(embw, X_remapped, axis=0)  # [B, INPUT_DIM, EMB_DIM]
    bag = gathered.sum(axis=1)  # [B, EMB_DIM]
    # Sequential: (Dropout, ReLU, Linear) x depth, then Dropout, ReLU; eval-mode dropout = identity
    h = jax.nn.relu(bag)
    h = h @ W1.T + b1
    h = jax.nn.relu(h)
    h = h @ W2.T + b2
    h = jax.nn.relu(h)
    h = h @ W3.T + b3
    out = jax.nn.relu(h)
    return out

if __name__ == "__main__":
    import jax
    _d = setup_inputs()
    print(jax.jit(kernel)(*tuple(_d.values())))

</pallas_src>

<mosaic_0001>
#map = affine_map<(d0, d1) -> (0, 0)>
#map1 = affine_map<(d0, d1) -> (0)>
module attributes {stable_mosaic.version = 14 : i64} {
  func.func @_bag_body(%arg0: i32, %arg1: i32, %arg2: memref<1024x512xi32, #tpu.memory_space<hbm>>, %arg3: memref<131072xi32, #tpu.memory_space<hbm>>, %arg4: memref<100000x128xf32, #tpu.memory_space<hbm>>, %arg5: memref<1024x128xf32, #tpu.memory_space<hbm>>, %arg6: memref<32x512xi32, #tpu.memory_space<vmem>>, %arg7: memref<16384xi32, #tpu.memory_space<vmem>>, %arg8: memref<16384xi32, #tpu.memory_space<vmem>>, %arg9: memref<4x128x128xf32, #tpu.memory_space<vmem>>, %arg10: memref<1x128xf32, #tpu.memory_space<vmem>>, %arg11: memref<32x128xf32, #tpu.memory_space<vmem>>, %arg12: memref<!tpu.dma_semaphore, #tpu.memory_space<semaphore_mem>>, %arg13: memref<!tpu.dma_semaphore, #tpu.memory_space<semaphore_mem>>) attributes {dimension_semantics = [#tpu.dimension_semantics<core_parallel>, #tpu.dimension_semantics<subcore_parallel>], iteration_bounds = array<i64: 2, 16>, scalar_prefetch = 0 : i64, scratch_operands = 8 : i64, tpu.core_type = #tpu.core_type<sc_vector_subcore>, window_params = [{transform_indices = #map}, {transform_indices = #map1}, {transform_indices = #map}, {transform_indices = #map}]} {
    %mul3A = arith.constant 2 : i32
    %mul3A_0 = arith.muli %arg1, %mul3A : i32
    %add3A = arith.addi %mul3A_0, %arg0 : i32
    %mul3A_1 = arith.constant 32 : i32
    %mul3A_2 = arith.muli %add3A, %mul3A_1 : i32
    "tpu.region"() ({
      %run_scoped3A = tpu.sem_alloc : memref<!tpu.dma_semaphore, #tpu.memory_space<semaphore_mem>>
      %dma_start3A_62 = arith.constant 0 : i32
      %dma_start3A_63 = tpu.memref_slice %arg2[%mul3A_2, %dma_start3A_62] : memref<1024x512xi32, #tpu.memory_space<hbm>> -> memref<32x512xi32, #tpu.memory_space<hbm>>
      %dma_start3A_64 = arith.constant 0 : i32
      %dma_start3A_65 = tpu.memref_slice %arg2[%mul3A_2, %dma_start3A_64] : memref<1024x512xi32, #tpu.memory_space<hbm>> -> memref<32x512xi32, #tpu.memory_space<hbm>>
      tpu.enqueue_dma source(%dma_start3A_65 : memref<32x512xi32, #tpu.memory_space<hbm>>) target(%arg6 : memref<32x512xi32, #tpu.memory_space<vmem>>) target_semaphore(%run_scoped3A : memref<!tpu.dma_semaphore, #tpu.memory_space<semaphore_mem>>)
      %dma_wait3A_66 = arith.constant 0 : i32
      %dma_wait3A_67 = tpu.memref_slice %arg2[%mul3A_2, %dma_wait3A_66] : memref<1024x512xi32, #tpu.memory_space<hbm>> -> memref<32x512xi32, #tpu.memory_space<hbm>>
      %dma_wait3A_68 = arith.constant 0 : i32
      %dma_wait3A_69 = tpu.memref_slice %arg2[%mul3A_2, %dma_wait3A_68] : memref<1024x512xi32, #tpu.memory_space<hbm>> -> memref<32x512xi32, #tpu.memory_space<hbm>>
      tpu.wait_dma2 semaphore(%run_scoped3A : memref<!tpu.dma_semaphore, #tpu.memory_space<semaphore_mem>>) src(%dma_wait3A_69 : memref<32x512xi32, #tpu.memory_space<hbm>>) dst(%arg6 : memref<32x512xi32, #tpu.memory_space<vmem>>)
      tpu.yield
    }) : () -> ()
    "tpu.region"() ({
      %run_scoped3A = tpu.sem_alloc : memref<!tpu.dma_semaphore, #tpu.memory_space<semaphore_mem>>
      %dma_start3A_62 = arith.constant 0 : i32
      %dma_start3A_63 = arith.constant 0 : i32
      %dma_start3A_64 = tpu.memref_slice %arg4[%dma_start3A_62, %dma_start3A_63] : memref<100000x128xf32, #tpu.memory_space<hbm>> -> memref<1x128xf32, #tpu.memory_space<hbm>>
      %dma_start3A_65 = arith.constant 0 : i32
      %dma_start3A_66 = arith.constant 0 : i32
      %dma_start3A_67 = tpu.memref_slice %arg4[%dma_start3A_65, %dma_start3A_66] : memref<100000x128xf32, #tpu.memory_space<hbm>> -> memref<1x128xf32, #tpu.memory_space<hbm>>
      tpu.enqueue_dma source(%dma_start3A_67 : memref<1x128xf32, #tpu.memory_space<hbm>>) target(%arg10 : memref<1x128xf32, #tpu.memory_space<vmem>>) target_semaphore(%run_scoped3A : memref<!tpu.dma_semaphore, #tpu.memory_space<semaphore_mem>>)
      %dma_wait3A_68 = arith.constant 0 : i32
      %dma_wait3A_69 = arith.constant 0 : i32
      %dma_wait3A_70 = tpu.memref_slice %arg4[%dma_wait3A_68, %dma_wait3A_69] : memref<100000x128xf32, #tpu.memory_space<hbm>> -> memref<1x128xf32, #tpu.memory_space<hbm>>
      %dma_wait3A_71 = arith.constant 0 : i32
      %dma_wait3A_72 = arith.constant 0 : i32
      %dma_wait3A_73 = tpu.memref_slice %arg4[%dma_wait3A_71, %dma_wait3A_72] : memref<100000x128xf32, #tpu.memory_space<hbm>> -> memref<1x128xf32, #tpu.memory_space<hbm>>
      tpu.wait_dma2 semaphore(%run_scoped3A : memref<!tpu.dma_semaphore, #tpu.memory_space<semaphore_mem>>) src(%dma_wait3A_73 : memref<1x128xf32, #tpu.memory_space<hbm>>) dst(%arg10 : memref<1x128xf32, #tpu.memory_space<vmem>>)
      tpu.yield
    }) : () -> ()
    %iota3A = tpu.iota {dimensions = array<i32: 0>} : vector<16xi32>
    %mul3A_3 = arith.constant 256 : i32
    %mul3A_4 = vector.broadcast %mul3A_3 : i32 to vector<16xi32>
    %mul3A_5 = arith.muli %iota3A, %mul3A_4 : vector<16xi32>
    %scan3A = arith.constant 0 : i32
    %scan3A_6 = arith.constant 0 : i32
    %scan3A_7 = arith.constant 1024 : i32
    %scan3A_8 = arith.addi %scan3A_6, %scan3A_7 : i32
    %scan3A_9 = arith.constant 1 : i32
    %scan3A_10 = scf.for %scan3A_62 = %scan3A_6 to %scan3A_8 step %scan3A_9 iter_args(%scan3A_63 = %scan3A) -> (i32)  : i32 {
      %jit3A = arith.constant 32 : i32
      %div3A = arith.divsi %scan3A_62, %jit3A : i32
      %sign3A = arith.constant 0 : i32
      %sign3A_64 = arith.cmpi sgt, %scan3A_62, %sign3A : i32
      %sign3A_65 = arith.extui %sign3A_64 : i1 to i32
      %sign3A_66 = arith.constant 0 : i32
      %sign3A_67 = arith.cmpi slt, %scan3A_62, %sign3A_66 : i32
      %sign3A_68 = arith.extui %sign3A_67 : i1 to i32
      %sign3A_69 = arith.subi %sign3A_65, %sign3A_68 : i32
      %sign3A_70 = arith.constant 0 : i32
      %sign3A_71 = arith.cmpi sgt, %jit3A, %sign3A_70 : i32
      %sign3A_72 = arith.extui %sign3A_71 : i1 to i32
      %sign3A_73 = arith.constant 0 : i32
      %sign3A_74 = arith.cmpi slt, %jit3A, %sign3A_73 : i32
      %sign3A_75 = arith.extui %sign3A_74 : i1 to i32
      %sign3A_76 = arith.subi %sign3A_72, %sign3A_75 : i32
      %ne3A = arith.cmpi ne, %sign3A_69, %sign3A_76 : i32
      %rem3A = arith.remsi %scan3A_62, %jit3A : i32
      %ne3A_77 = arith.constant 0 : i32
      %ne3A_78 = arith.cmpi ne, %rem3A, %ne3A_77 : i32
      %and3A = arith.andi %ne3A, %ne3A_78 : i1
      %sub3A = arith.constant 1 : i32
      %sub3A_79 = arith.subi %div3A, %sub3A : i32
      %select_n3A = arith.select %and3A, %sub3A_79, %div3A : i32
      %jit3A_80 = arith.constant 32 : i32
      %eq3A = arith.constant 0 : i32
      %eq3A_81 = arith.cmpi eq, %jit3A_80, %eq3A : i32
      %jit3A_82 = arith.constant 1 : i32
      %select_n3A_83 = arith.select %eq3A_81, %jit3A_82, %jit3A_80 : i32
      %rem3A_84 = arith.remsi %scan3A_62, %select_n3A_83 : i32
      %ne3A_85 = arith.constant 0 : i32
      %ne3A_86 = arith.cmpi ne, %rem3A_84, %ne3A_85 : i32
      %lt3A = arith.constant 0 : i32
      %lt3A_87 = arith.cmpi slt, %rem3A_84, %lt3A : i32
      %lt3A_88 = arith.constant 0 : i32
      %lt3A_89 = arith.cmpi slt, %select_n3A_83, %lt3A_88 : i32
      %ne3A_90 = arith.xori %lt3A_87, %lt3A_89 : i1
      %and3A_91 = arith.andi %ne3A_90, %ne3A_86 : i1
      %add3A_92 = arith.addi %rem3A_84, %select_n3A_83 : i32
      %select_n3A_93 = arith.select %and3A_91, %add3A_92, %rem3A_84 : i32
      %mul3A_94 = arith.constant 16 : i32
      %mul3A_95 = arith.muli %select_n3A_93, %mul3A_94 : i32
      %get3A = arith.index_cast %select_n3A : i32 to index
      %get3A_96 = arith.index_cast %mul3A_95 : i32 to index
      %get3A_97 = tpu.vector_load %arg6[%get3A, %get3A_96] {strides = array<i32>} : memref<32x512xi32, #tpu.memory_space<vmem>>, vector<16xi32>,
      %add3A_98 = arith.addi %get3A_97, %mul3A_5 : vector<16xi32>
      %mul3A_99 = arith.constant 4096 : i32
      %mul3A_100 = arith.muli %select_n3A_93, %mul3A_99 : i32
      %add3A_101 = vector.broadcast %mul3A_100 : i32 to vector<16xi32>
      %add3A_102 = arith.addi %add3A_98, %add3A_101 : vector<16xi32>
      %mul3A_103 = arith.constant 16 : i32
      %mul3A_104 = arith.muli %scan3A_62, %mul3A_103 : i32
      %swap3A = arith.index_cast %mul3A_104 : i32 to index
      %swap3A_105 = tpu.vector_load %arg7[%swap3A] {strides = array<i32>} : memref<16384xi32, #tpu.memory_space<vmem>>, vector<16xi32>,
      tpu.vector_store %arg7[%swap3A], %add3A_102 {strides = array<i32>} : memref<16384xi32, #tpu.memory_space<vmem>>, vector<16xi32>,
      %scan3A_106 = arith.constant 0 : i32
      scf.yield %scan3A_106 : i32
    }
    %scan3A_11 = arith.constant 1024 : i32
    %scan3A_12 = arith.constant 0 : i32
    %scan3A_13 = arith.constant 0 : i32
    %scan3A_14 = arith.constant 8 : i32
    %scan3A_15 = arith.addi %scan3A_13, %scan3A_14 : i32
    %scan3A_16 = arith.constant 1 : i32
    %scan3A_17 = scf.for %scan3A_62 = %scan3A_13 to %scan3A_15 step %scan3A_16 iter_args(%scan3A_63 = %scan3A_12) -> (i32)  : i32 {
      %mul3A_64 = arith.constant 4 : i32
      %mul3A_65 = arith.muli %scan3A_62, %mul3A_64 : i32
      %add3A_66 = arith.constant 1 : i32
      %add3A_67 = arith.addi %scan3A_62, %add3A_66 : i32
      %mul3A_68 = arith.constant 4 : i32
      %mul3A_69 = arith.muli %add3A_67, %mul3A_68 : i32
      %while3A = arith.constant 0 : i32
      %while3A_70 = arith.subi %mul3A_69, %mul3A_65 : i32
      %while3A_71 = arith.addi %mul3A_65, %while3A_70 : i32
      %while3A_72 = arith.constant 1 : i32
      %while3A_73 = arith.divsi %while3A_70, %while3A_72 : i32
      %while3A_74 = arith.muli %while3A_73, %while3A_72 : i32
      %while3A_75 = arith.addi %mul3A_65, %while3A_74 : i32
      %while3A_76 = arith.constant 1 : i32
      %while3A_77 = scf.for %while3A_81 = %mul3A_65 to %while3A_75 step %while3A_76 iter_args(%while3A_82 = %while3A) -> (i32)  : i32 {
        %mul3A_83 = arith.constant 128 : i32
        %mul3A_84 = arith.muli %while3A_81, %mul3A_83 : i32
        %mul3A_85 = arith.constant 128 : i32
        %mul3A_86 = arith.muli %while3A_81, %mul3A_85 : i32
        %dma_start3A_87 = tpu.memref_slice %arg8[%mul3A_86] : memref<16384xi32, #tpu.memory_space<vmem>> -> memref<128xi32, #tpu.memory_space<vmem>>
        %dma_start3A_88 = tpu.memref_slice %arg7[%mul3A_84] : memref<16384xi32, #tpu.memory_space<vmem>> -> memref<128xi32, #tpu.memory_space<vmem>>
        %dma_start3A_89 = arith.constant 0 : i32
        %dma_start3A_90 = tpu.memref_slice %arg3[%dma_start3A_89] : memref<131072xi32, #tpu.memory_space<hbm>> -> memref<131072xi32, #tpu.memory_space<hbm>>
        tpu.enqueue_indirect_dma source(%dma_start3A_90 : memref<131072xi32, #tpu.memory_space<hbm>>) target(%dma_start3A_87 : memref<128xi32, #tpu.memory_space<vmem>>) offsets(%dma_start3A_88 : memref<128xi32, #tpu.memory_space<vmem>>) semaphore(%arg12 : memref<!tpu.dma_semaphore, #tpu.memory_space<semaphore_mem>>)
        %while3A_91 = arith.constant 0 : i32
        scf.yield %while3A_91 : i32
      }
      %while3A_78 = arith.constant 1 : i32
      %while3A_79 = scf.for %while3A_81 = %while3A_75 to %while3A_71 step %while3A_78 iter_args(%while3A_82 = %while3A_77) -> (i32)  : i32 {
        %mul3A_83 = arith.constant 128 : i32
        %mul3A_84 = arith.muli %while3A_81, %mul3A_83 : i32
        %mul3A_85 = arith.constant 128 : i32
        %mul3A_86 = arith.muli %while3A_81, %mul3A_85 : i32
        %dma_start3A_87 = tpu.memref_slice %arg8[%mul3A_86] : memref<16384xi32, #tpu.memory_space<vmem>> -> memref<128xi32, #tpu.memory_space<vmem>>
        %dma_start3A_88 = tpu.memref_slice %arg7[%mul3A_84] : memref<16384xi32, #tpu.memory_space<vmem>> -> memref<128xi32, #tpu.memory_space<vmem>>
        %dma_start3A_89 = arith.constant 0 : i32
        %dma_start3A_90 = tpu.memref_slice %arg3[%dma_start3A_89] : memref<131072xi32, #tpu.memory_space<hbm>> -> memref<131072xi32, #tpu.memory_space<hbm>>
        tpu.enqueue_indirect_dma source(%dma_start3A_90 : memref<131072xi32, #tpu.memory_space<hbm>>) target(%dma_start3A_87 : memref<128xi32, #tpu.memory_space<vmem>>) offsets(%dma_start3A_88 : memref<128xi32, #tpu.memory_space<vmem>>) semaphore(%arg12 : memref<!tpu.dma_semaphore, #tpu.memory_space<semaphore_mem>>)
        %while3A_91 = arith.constant 0 : i32
        scf.yield %while3A_91 : i32
      }
      %scan3A_80 = arith.constant 0 : i32
      scf.yield %scan3A_80 : i32
    }
    %scan3A_18 = arith.constant 8 : i32
    %dma_wait3A = arith.constant 0 : i32
    %dma_wait3A_19 = tpu.memref_slice %arg8[%dma_wait3A] : memref<16384xi32, #tpu.memory_space<vmem>> -> memref<512xi32, #tpu.memory_space<vmem>>
    %dma_wait3A_20 = arith.constant 0 : i32
    %dma_wait3A_21 = tpu.memref_slice %arg3[%dma_wait3A_20] : memref<131072xi32, #tpu.memory_space<hbm>> -> memref<512xi32, #tpu.memory_space<hbm>>
    %dma_wait3A_22 = arith.constant 0 : i32
    %dma_wait3A_23 = tpu.memref_slice %arg8[%dma_wait3A_22] : memref<16384xi32, #tpu.memory_space<vmem>> -> memref<512xi32, #tpu.memory_space<vmem>>
    %dma_wait3A_24 = arith.constant 0 : i32
    %dma_wait3A_25 = tpu.memref_slice %arg3[%dma_wait3A_24] : memref<131072xi32, #tpu.memory_space<hbm>> -> memref<512xi32, #tpu.memory_space<hbm>>
    tpu.wait_dma2 semaphore(%arg12 : memref<!tpu.dma_semaphore, #tpu.memory_space<semaphore_mem>>) src(%dma_wait3A_25 : memref<512xi32, #tpu.memory_space<hbm>>) dst(%dma_wait3A_23 : memref<512xi32, #tpu.memory_space<vmem>>)
    %dma_start3A = arith.constant 0 : i32
    %dma_start3A_26 = arith.constant 0 : i32
    %dma_start3A_27 = arith.constant 0 : i32
    %dma_start3A_28 = tpu.memref_slice %arg9[%dma_start3A, %dma_start3A_26, %dma_start3A_27] : memref<4x128x128xf32, #tpu.memory_space<vmem>> -> memref<1x128x128xf32, #tpu.memory_space<vmem>>
    %dma_start3A_29 = tpu.memref_squeeze %dma_start3A_28 : memref<1x128x128xf32, #tpu.memory_space<vmem>> -> memref<128x128xf32, #tpu.memory_space<vmem>>
    %dma_start3A_30 = arith.constant 0 : i32
    %dma_start3A_31 = tpu.memref_slice %arg8[%dma_start3A_30] : memref<16384xi32, #tpu.memory_space<vmem>> -> memref<128xi32, #tpu.memory_space<vmem>>
    %dma_start3A_32 = arith.constant 0 : i32
    %dma_start3A_33 = arith.constant 0 : i32
    %dma_start3A_34 = tpu.memref_slice %arg4[%dma_start3A_32, %dma_start3A_33] : memref<100000x128xf32, #tpu.memory_space<hbm>> -> memref<100000x128xf32, #tpu.memory_space<hbm>>
    tpu.enqueue_indirect_dma source(%dma_start3A_34 : memref<100000x128xf32, #tpu.memory_space<hbm>>) target(%dma_start3A_29 : memref<128x128xf32, #tpu.memory_space<vmem>>) offsets(%dma_start3A_31 : memref<128xi32, #tpu.memory_space<vmem>>) semaphore(%arg13 : memref<!tpu.dma_semaphore, #tpu.memory_space<semaphore_mem>>)
    %dma_start3A_35 = arith.constant 1 : i32
    %dma_start3A_36 = arith.constant 0 : i32
    %dma_start3A_37 = arith.constant 0 : i32
    %dma_start3A_38 = tpu.memref_slice %arg9[%dma_start3A_35, %dma_start3A_36, %dma_start3A_37] : memref<4x128x128xf32, #tpu.memory_space<vmem>> -> memref<1x128x128xf32, #tpu.memory_space<vmem>>
    %dma_start3A_39 = tpu.memref_squeeze %dma_start3A_38 : memref<1x128x128xf32, #tpu.memory_space<vmem>> -> memref<128x128xf32, #tpu.memory_space<vmem>>
    %dma_start3A_40 = arith.constant 128 : i32
    %dma_start3A_41 = tpu.memref_slice %arg8[%dma_start3A_40] : memref<16384xi32, #tpu.memory_space<vmem>> -> memref<128xi32, #tpu.memory_space<vmem>>
    %dma_start3A_42 = arith.constant 0 : i32
    %dma_start3A_43 = arith.constant 0 : i32
    %dma_start3A_44 = tpu.memref_slice %arg4[%dma_start3A_42, %dma_start3A_43] : memref<100000x128xf32, #tpu.memory_space<hbm>> -> memref<100000x128xf32, #tpu.memory_space<hbm>>
    tpu.enqueue_indirect_dma source(%dma_start3A_44 : memref<100000x128xf32, #tpu.memory_space<hbm>>) target(%dma_start3A_39 : memref<128x128xf32, #tpu.memory_space<vmem>>) offsets(%dma_start3A_41 : memref<128xi32, #tpu.memory_space<vmem>>) semaphore(%arg13 : memref<!tpu.dma_semaphore, #tpu.memory_space<semaphore_mem>>)
    %dma_start3A_45 = arith.constant 2 : i32
    %dma_start3A_46 = arith.constant 0 : i32
    %dma_start3A_47 = arith.constant 0 : i32
    %dma_start3A_48 = tpu.memref_slice %arg9[%dma_start3A_45, %dma_start3A_46, %dma_start3A_47] : memref<4x128x128xf32, #tpu.memory_space<vmem>> -> memref<1x128x128xf32, #tpu.memory_space<vmem>>
    %dma_start3A_49 = tpu.memref_squeeze %dma_start3A_48 : memref<1x128x128xf32, #tpu.memory_space<vmem>> -> memref<128x128xf32, #tpu.memory_space<vmem>>
    %dma_start3A_50 = arith.constant 256 : i32
    %dma_start3A_51 = tpu.memref_slice %arg8[%dma_start3A_50] : memref<16384xi32, #tpu.memory_space<vmem>> -> memref<128xi32, #tpu.memory_space<vmem>>
    %dma_start3A_52 = arith.constant 0 : i32
    %dma_start3A_53 = arith.constant 0 : i32
    %dma_start3A_54 = tpu.memref_slice %arg4[%dma_start3A_52, %dma_start3A_53] : memref<100000x128xf32, #tpu.memory_space<hbm>> -> memref<100000x128xf32, #tpu.memory_space<hbm>>
    tpu.enqueue_indirect_dma source(%dma_start3A_54 : memref<100000x128xf32, #tpu.memory_space<hbm>>) target(%dma_start3A_49 : memref<128x128xf32, #tpu.memory_space<vmem>>) offsets(%dma_start3A_51 : memref<128xi32, #tpu.memory_space<vmem>>) semaphore(%arg13 : memref<!tpu.dma_semaphore, #tpu.memory_space<semaphore_mem>>)
    %scan3A_55 = arith.constant 0 : i32
    %scan3A_56 = arith.constant 0 : i32
    %scan3A_57 = arith.constant 32 : i32
    %scan3A_58 = arith.addi %scan3A_56, %scan3A_57 : i32
    %scan3A_59 = arith.constant 1 : i32
    %scan3A_60 = scf.for %scan3A_62 = %scan3A_56 to %scan3A_58 step %scan3A_59 iter_args(%scan3A_63 = %scan3A_55) -> (i32)  : i32 {
      %add3A_64 = arith.constant 8 : i32
      %add3A_65 = arith.addi %scan3A_62, %add3A_64 : i32
      %lt3A = arith.constant 32 : i32
      %lt3A_66 = arith.cmpi slt, %add3A_65, %lt3A : i32
      %convert_element_type3A = arith.extui %lt3A_66 : i1 to i32
      %cond3A = arith.constant 0 : i32
      %cond3A_67 = arith.cmpi ne, %convert_element_type3A, %cond3A : i32
      scf.if %cond3A_67 {
        %add3A_302 = arith.constant 8 : i32
        %add3A_303 = arith.addi %scan3A_62, %add3A_302 : i32
        %mul3A_304 = arith.constant 4 : i32
        %mul3A_305 = arith.muli %add3A_303, %mul3A_304 : i32
        %add3A_306 = arith.constant 1 : i32
        %add3A_307 = arith.addi %add3A_303, %add3A_306 : i32
        %mul3A_308 = arith.constant 4 : i32
        %mul3A_309 = arith.muli %add3A_307, %mul3A_308 : i32
        %while3A = arith.constant 0 : i32
        %while3A_310 = arith.subi %mul3A_309, %mul3A_305 : i32
        %while3A_311 = arith.addi %mul3A_305, %while3A_310 : i32
        %while3A_312 = arith.constant 1 : i32
        %while3A_313 = arith.divsi %while3A_310, %while3A_312 : i32
        %while3A_314 = arith.muli %while3A_313, %while3A_312 : i32
        %while3A_315 = arith.addi %mul3A_305, %while3A_314 : i32
        %while3A_316 = arith.constant 1 : i32
        %while3A_317 = scf.for %while3A_320 = %mul3A_305 to %while3A_315 step %while3A_316 iter_args(%while3A_321 = %while3A) -> (i32)  : i32 {
          %mul3A_322 = arith.constant 128 : i32
          %mul3A_323 = arith.muli %while3A_320, %mul3A_322 : i32
          %mul3A_324 = arith.constant 128 : i32
          %mul3A_325 = arith.muli %while3A_320, %mul3A_324 : i32
          %dma_start3A_326 = tpu.memref_slice %arg8[%mul3A_325] : memref<16384xi32, #tpu.memory_space<vmem>> -> memref<128xi32, #tpu.memory_space<vmem>>
          %dma_start3A_327 = tpu.memref_slice %arg7[%mul3A_323] : memref<16384xi32, #tpu.memory_space<vmem>> -> memref<128xi32, #tpu.memory_space<vmem>>
          %dma_start3A_328 = arith.constant 0 : i32
          %dma_start3A_329 = tpu.memref_slice %arg3[%dma_start3A_328] : memref<131072xi32, #tpu.memory_space<hbm>> -> memref<131072xi32, #tpu.memory_space<hbm>>
          tpu.enqueue_indirect_dma source(%dma_start3A_329 : memref<131072xi32, #tpu.memory_space<hbm>>) target(%dma_start3A_326 : memref<128xi32, #tpu.memory_space<vmem>>) offsets(%dma_start3A_327 : memref<128xi32, #tpu.memory_space<vmem>>) semaphore(%arg12 : memref<!tpu.dma_semaphore, #tpu.memory_space<semaphore_mem>>)
          %while3A_330 = arith.constant 0 : i32
          scf.yield %while3A_330 : i32
        }
        %while3A_318 = arith.constant 1 : i32
        %while3A_319 = scf.for %while3A_320 = %while3A_315 to %while3A_311 step %while3A_318 iter_args(%while3A_321 = %while3A_317) -> (i32)  : i32 {
          %mul3A_322 = arith.constant 128 : i32
          %mul3A_323 = arith.muli %while3A_320, %mul3A_322 : i32
          %mul3A_324 = arith.constant 128 : i32
          %mul3A_325 = arith.muli %while3A_320, %mul3A_324 : i32
          %dma_start3A_326 = tpu.memref_slice %arg8[%mul3A_325] : memref<16384xi32, #tpu.memory_space<vmem>> -> memref<128xi32, #tpu.memory_space<vmem>>
          %dma_start3A_327 = tpu.memref_slice %arg7[%mul3A_323] : memref<16384xi32, #tpu.memory_space<vmem>> -> memref<128xi32, #tpu.memory_space<vmem>>
          %dma_start3A_328 = arith.constant 0 : i32
          %dma_start3A_329 = tpu.memref_slice %arg3[%dma_start3A_328] : memref<131072xi32, #tpu.memory_space<hbm>> -> memref<131072xi32, #tpu.memory_space<hbm>>
          tpu.enqueue_indirect_dma source(%dma_start3A_329 : memref<131072xi32, #tpu.memory_space<hbm>>) target(%dma_start3A_326 : memref<128xi32, #tpu.memory_space<vmem>>) offsets(%dma_start3A_327 : memref<128xi32, #tpu.memory_space<vmem>>) semaphore(%arg12 : memref<!tpu.dma_semaphore, #tpu.memory_space<semaphore_mem>>)
          %while3A_330 = arith.constant 0 : i32
          scf.yield %while3A_330 : i32
        }
      } else {
      }
      %lt3A_68 = arith.constant 31 : i32
      %lt3A_69 = arith.cmpi slt, %scan3A_62, %lt3A_68 : i32
      %convert_element_type3A_70 = arith.extui %lt3A_69 : i1 to i32
      %cond3A_71 = arith.constant 0 : i32
      %cond3A_72 = arith.cmpi ne, %convert_element_type3A_70, %cond3A_71 : i32
      scf.if %cond3A_72 {
        %dma_wait3A_302 = arith.constant 0 : i32
        %dma_wait3A_303 = tpu.memref_slice %arg8[%dma_wait3A_302] : memref<16384xi32, #tpu.memory_space<vmem>> -> memref<512xi32, #tpu.memory_space<vmem>>
        %dma_wait3A_304 = arith.constant 0 : i32
        %dma_wait3A_305 = tpu.memref_slice %arg3[%dma_wait3A_304] : memref<131072xi32, #tpu.memory_space<hbm>> -> memref<512xi32, #tpu.memory_space<hbm>>
        %dma_wait3A_306 = arith.constant 0 : i32
        %dma_wait3A_307 = tpu.memref_slice %arg8[%dma_wait3A_306] : memref<16384xi32, #tpu.memory_space<vmem>> -> memref<512xi32, #tpu.memory_space<vmem>>
        %dma_wait3A_308 = arith.constant 0 : i32
        %dma_wait3A_309 = tpu.memref_slice %arg3[%dma_wait3A_308] : memref<131072xi32, #tpu.memory_space<hbm>> -> memref<512xi32, #tpu.memory_space<hbm>>
        tpu.wait_dma2 semaphore(%arg12 : memref<!tpu.dma_semaphore, #tpu.memory_space<semaphore_mem>>) src(%dma_wait3A_309 : memref<512xi32, #tpu.memory_space<hbm>>) dst(%dma_wait3A_307 : memref<512xi32, #tpu.memory_space<vmem>>)
      } else {
      }
      %broadcast_in_dim3A = arith.constant 0 : i32
      %broadcast_in_dim3A_73 = vector.broadcast %broadcast_in_dim3A : i32 to vector<16xi32>
      %scan3A_74 = arith.constant 0 : i32
      %scan3A_75 = arith.constant 32 : i32
      %scan3A_76 = arith.addi %scan3A_74, %scan3A_75 : i32
      %scan3A_77 = arith.constant 1 : i32
      %scan3A_78 = scf.for %scan3A_302 = %scan3A_74 to %scan3A_76 step %scan3A_77 iter_args(%scan3A_303 = %broadcast_in_dim3A_73) -> (vector<16xi32>)  : i32 {
        %mul3A_304 = arith.constant 512 : i32
        %mul3A_305 = arith.muli %scan3A_62, %mul3A_304 : i32
        %mul3A_306 = arith.constant 16 : i32
        %mul3A_307 = arith.muli %scan3A_302, %mul3A_306 : i32
        %add3A_308 = arith.addi %mul3A_305, %mul3A_307 : i32
        %get3A_309 = arith.index_cast %add3A_308 : i32 to index
        %get3A_310 = tpu.vector_load %arg8[%get3A_309] {strides = array<i32>} : memref<16384xi32, #tpu.memory_space<vmem>>, vector<16xi32>,
        %eq3A = arith.constant 0 : i32
        %eq3A_311 = vector.broadcast %eq3A : i32 to vector<16xi32>
        %eq3A_312 = arith.cmpi eq, %get3A_310, %eq3A_311 : vector<16xi32>
        %all_reduce_population_count3A = tpu.all_reduce %eq3A_312 {dim = 0 : i64, kind = #tpu.reduction_kind<sum>} : vector<16xi1> -> vector<16xi32>
        %add3A_313 = arith.addi %scan3A_303, %all_reduce_population_count3A : vector<16xi32>
        scf.yield %add3A_313 : vector<16xi32>
      }
      %scan3A_79 = arith.constant 32 : i32
      %convert_element_type3A_80 = arith.sitofp %scan3A_78 : vector<16xi32> to vector<16xf32>
      %neg3A = arith.constant 0.000000e+00 : f32
      %neg3A_81 = vector.broadcast %neg3A : f32 to vector<16xf32>
      %neg3A_82 = arith.subf %neg3A_81, %convert_element_type3A_80 : vector<16xf32>
      %get3A = arith.constant 0 : i32
      %get3A_83 = arith.index_cast %get3A : i32 to index
      %get3A_84 = arith.constant 0 : index
      %get3A_85 = tpu.vector_load %arg10[%get3A_83, %get3A_84] {strides = array<i32>} : memref<1x128xf32, #tpu.memory_space<vmem>>, vector<16xf32>,
      %mul3A_86 = arith.mulf %neg3A_82, %get3A_85 : vector<16xf32>
      %neg3A_87 = arith.constant 0.000000e+00 : f32
      %neg3A_88 = vector.broadcast %neg3A_87 : f32 to vector<16xf32>
      %neg3A_89 = arith.subf %neg3A_88, %convert_element_type3A_80 : vector<16xf32>
      %get3A_90 = arith.constant 0 : i32
      %get3A_91 = arith.index_cast %get3A_90 : i32 to index
      %get3A_92 = arith.constant 16 : index
      %get3A_93 = tpu.vector_load %arg10[%get3A_91, %get3A_92] {strides = array<i32>} : memref<1x128xf32, #tpu.memory_space<vmem>>, vector<16xf32>,
      %mul3A_94 = arith.mulf %neg3A_89, %get3A_93 : vector<16xf32>
      %neg3A_95 = arith.constant 0.000000e+00 : f32
      %neg3A_96 = vector.broadcast %neg3A_95 : f32 to vector<16xf32>
      %neg3A_97 = arith.subf %neg3A_96, %convert_element_type3A_80 : vector<16xf32>
      %get3A_98 = arith.constant 0 : i32
      %get3A_99 = arith.index_cast %get3A_98 : i32 to index
      %get3A_100 = arith.constant 32 : index
      %get3A_101 = tpu.vector_load %arg10[%get3A_99, %get3A_100] {strides = array<i32>} : memref<1x128xf32, #tpu.memory_space<vmem>>, vector<16xf32>,
      %mul3A_102 = arith.mulf %neg3A_97, %get3A_101 : vector<16xf32>
      %neg3A_103 = arith.constant 0.000000e+00 : f32
      %neg3A_104 = vector.broadcast %neg3A_103 : f32 to vector<16xf32>
      %neg3A_105 = arith.subf %neg3A_104, %convert_element_type3A_80 : vector<16xf32>
      %get3A_106 = arith.constant 0 : i32
      %get3A_107 = arith.index_cast %get3A_106 : i32 to index
      %get3A_108 = arith.constant 48 : index
      %get3A_109 = tpu.vector_load %arg10[%get3A_107, %get3A_108] {strides = array<i32>} : memref<1x128xf32, #tpu.memory_space<vmem>>, vector<16xf32>,
      %mul3A_110 = arith.mulf %neg3A_105, %get3A_109 : vector<16xf32>
      %neg3A_111 = arith.constant 0.000000e+00 : f32
      %neg3A_112 = vector.broadcast %neg3A_111 : f32 to vector<16xf32>
      %neg3A_113 = arith.subf %neg3A_112, %convert_element_type3A_80 : vector<16xf32>
      %get3A_114 = arith.constant 0 : i32
      %get3A_115 = arith.index_cast %get3A_114 : i32 to index
      %get3A_116 = arith.constant 64 : index
      %get3A_117 = tpu.vector_load %arg10[%get3A_115, %get3A_116] {strides = array<i32>} : memref<1x128xf32, #tpu.memory_space<vmem>>, vector<16xf32>,
      %mul3A_118 = arith.mulf %neg3A_113, %get3A_117 : vector<16xf32>
      %neg3A_119 = arith.constant 0.000000e+00 : f32
      %neg3A_120 = vector.broadcast %neg3A_119 : f32 to vector<16xf32>
      %neg3A_121 = arith.subf %neg3A_120, %convert_element_type3A_80 : vector<16xf32>
      %get3A_122 = arith.constant 0 : i32
      %get3A_123 = arith.index_cast %get3A_122 : i32 to index
      %get3A_124 = arith.constant 80 : index
      %get3A_125 = tpu.vector_load %arg10[%get3A_123, %get3A_124] {strides = array<i32>} : memref<1x128xf32, #tpu.memory_space<vmem>>, vector<16xf32>,
      %mul3A_126 = arith.mulf %neg3A_121, %get3A_125 : vector<16xf32>
      %neg3A_127 = arith.constant 0.000000e+00 : f32
      %neg3A_128 = vector.broadcast %neg3A_127 : f32 to vector<16xf32>
      %neg3A_129 = arith.subf %neg3A_128, %convert_element_type3A_80 : vector<16xf32>
      %get3A_130 = arith.constant 0 : i32
      %get3A_131 = arith.index_cast %get3A_130 : i32 to index
      %get3A_132 = arith.constant 96 : index
      %get3A_133 = tpu.vector_load %arg10[%get3A_131, %get3A_132] {strides = array<i32>} : memref<1x128xf32, #tpu.memory_space<vmem>>, vector<16xf32>,
      %mul3A_134 = arith.mulf %neg3A_129, %get3A_133 : vector<16xf32>
      %neg3A_135 = arith.constant 0.000000e+00 : f32
      %neg3A_136 = vector.broadcast %neg3A_135 : f32 to vector<16xf32>
      %neg3A_137 = arith.subf %neg3A_136, %convert_element_type3A_80 : vector<16xf32>
      %get3A_138 = arith.constant 0 : i32
      %get3A_139 = arith.index_cast %get3A_138 : i32 to index
      %get3A_140 = arith.constant 112 : index
      %get3A_141 = tpu.vector_load %arg10[%get3A_139, %get3A_140] {strides = array<i32>} : memref<1x128xf32, #tpu.memory_space<vmem>>, vector<16xf32>,
      %mul3A_142 = arith.mulf %neg3A_137, %get3A_141 : vector<16xf32>
      %mul3A_143 = arith.constant 4 : i32
      %mul3A_144 = arith.muli %scan3A_62, %mul3A_143 : i32
      %add3A_145 = arith.constant 0 : i32
      %add3A_146 = arith.addi %mul3A_144, %add3A_145 : i32
      %add3A_147 = arith.constant 4 : i32
      %add3A_148 = arith.addi %add3A_146, %add3A_147 : i32
      %sub3A = arith.constant 1 : i32
      %sub3A_149 = arith.subi %add3A_148, %sub3A : i32
      %lt3A_150 = arith.constant 128 : i32
      %lt3A_151 = arith.cmpi slt, %sub3A_149, %lt3A_150 : i32
      %convert_element_type3A_152 = arith.extui %lt3A_151 : i1 to i32
      %cond3A_153 = arith.constant 0 : i32
      %cond3A_154 = arith.cmpi ne, %convert_element_type3A_152, %cond3A_153 : i32
      scf.if %cond3A_154 {
        %mul3A_302 = arith.constant 128 : i32
        %mul3A_303 = arith.muli %sub3A_149, %mul3A_302 : i32
        %dma_start3A_304 = arith.constant 3 : i32
        %dma_start3A_305 = arith.constant 0 : i32
        %dma_start3A_306 = arith.constant 0 : i32
        %dma_start3A_307 = tpu.memref_slice %arg9[%dma_start3A_304, %dma_start3A_305, %dma_start3A_306] : memref<4x128x128xf32, #tpu.memory_space<vmem>> -> memref<1x128x128xf32, #tpu.memory_space<vmem>>
        %dma_start3A_308 = tpu.memref_squeeze %dma_start3A_307 : memref<1x128x128xf32, #tpu.memory_space<vmem>> -> memref<128x128xf32, #tpu.memory_space<vmem>>
        %dma_start3A_309 = tpu.memref_slice %arg8[%mul3A_303] : memref<16384xi32, #tpu.memory_space<vmem>> -> memref<128xi32, #tpu.memory_space<vmem>>
        %dma_start3A_310 = arith.constant 0 : i32
        %dma_start3A_311 = arith.constant 0 : i32
        %dma_start3A_312 = tpu.memref_slice %arg4[%dma_start3A_310, %dma_start3A_311] : memref<100000x128xf32, #tpu.memory_space<hbm>> -> memref<100000x128xf32, #tpu.memory_space<hbm>>
        tpu.enqueue_indirect_dma source(%dma_start3A_312 : memref<100000x128xf32, #tpu.memory_space<hbm>>) target(%dma_start3A_308 : memref<128x128xf32, #tpu.memory_space<vmem>>) offsets(%dma_start3A_309 : memref<128xi32, #tpu.memory_space<vmem>>) semaphore(%arg13 : memref<!tpu.dma_semaphore, #tpu.memory_space<semaphore_mem>>)
      } else {
      }
      %dma_wait3A_155 = arith.constant 0 : i32
      %dma_wait3A_156 = arith.constant 0 : i32
      %dma_wait3A_157 = arith.constant 0 : i32
      %dma_wait3A_158 = tpu.memref_slice %arg9[%dma_wait3A_155, %dma_wait3A_156, %dma_wait3A_157] : memref<4x128x128xf32, #tpu.memory_space<vmem>> -> memref<1x128x128xf32, #tpu.memory_space<vmem>>
      %dma_wait3A_159 = tpu.memref_squeeze %dma_wait3A_158 : memref<1x128x128xf32, #tpu.memory_space<vmem>> -> memref<128x128xf32, #tpu.memory_space<vmem>>
      %dma_wait3A_160 = arith.constant 0 : i32
      %dma_wait3A_161 = arith.constant 0 : i32
      %dma_wait3A_162 = tpu.memref_slice %arg4[%dma_wait3A_160, %dma_wait3A_161] : memref<100000x128xf32, #tpu.memory_space<hbm>> -> memref<128x128xf32, #tpu.memory_space<hbm>>
      %dma_wait3A_163 = arith.constant 0 : i32
      %dma_wait3A_164 = arith.constant 0 : i32
      %dma_wait3A_165 = tpu.memref_slice %arg9[%dma_wait3A_155, %dma_wait3A_163, %dma_wait3A_164] : memref<4x128x128xf32, #tpu.memory_space<vmem>> -> memref<1x128x128xf32, #tpu.memory_space<vmem>>
      %dma_wait3A_166 = tpu.memref_squeeze %dma_wait3A_165 : memref<1x128x128xf32, #tpu.memory_space<vmem>> -> memref<128x128xf32, #tpu.memory_space<vmem>>
      %dma_wait3A_167 = arith.constant 0 : i32
      %dma_wait3A_168 = arith.constant 0 : i32
      %dma_wait3A_169 = tpu.memref_slice %arg4[%dma_wait3A_167, %dma_wait3A_168] : memref<100000x128xf32, #tpu.memory_space<hbm>> -> memref<128x128xf32, #tpu.memory_space<hbm>>
      tpu.wait_dma2 semaphore(%arg13 : memref<!tpu.dma_semaphore, #tpu.memory_space<semaphore_mem>>) src(%dma_wait3A_169 : memref<128x128xf32, #tpu.memory_space<hbm>>) dst(%dma_wait3A_166 : memref<128x128xf32, #tpu.memory_space<vmem>>)
      %scan3A_170 = arith.constant 0 : i32
      %scan3A_171 = arith.constant 128 : i32
      %scan3A_172 = arith.addi %scan3A_170, %scan3A_171 : i32
      %scan3A_173 = arith.constant 1 : i32
      %scan3A_174:8 = scf.for %scan3A_302 = %scan3A_170 to %scan3A_172 step %scan3A_173 iter_args(%scan3A_303 = %mul3A_86, %scan3A_304 = %mul3A_94, %scan3A_305 = %mul3A_102, %scan3A_306 = %mul3A_110, %scan3A_307 = %mul3A_118, %scan3A_308 = %mul3A_126, %scan3A_309 = %mul3A_134, %scan3A_310 = %mul3A_142) -> (vector<16xf32>, vector<16xf32>, vector<16xf32>, vector<16xf32>, vector<16xf32>, vector<16xf32>, vector<16xf32>, vector<16xf32>)  : i32 {
        %get3A_311 = arith.constant 0 : i32
        %get3A_312 = arith.index_cast %get3A_311 : i32 to index
        %get3A_313 = arith.index_cast %scan3A_302 : i32 to index
        %get3A_314 = arith.constant 0 : index
        %get3A_315 = tpu.vector_load %arg9[%get3A_312, %get3A_313, %get3A_314] {strides = array<i32>} : memref<4x128x128xf32, #tpu.memory_space<vmem>>, vector<16xf32>,
        %add3A_316 = arith.addf %scan3A_303, %get3A_315 : vector<16xf32>
        %get3A_317 = arith.constant 0 : i32
        %get3A_318 = arith.index_cast %get3A_317 : i32 to index
        %get3A_319 = arith.index_cast %scan3A_302 : i32 to index
        %get3A_320 = arith.constant 16 : index
        %get3A_321 = tpu.vector_load %arg9[%get3A_318, %get3A_319, %get3A_320] {strides = array<i32>} : memref<4x128x128xf32, #tpu.memory_space<vmem>>, vector<16xf32>,
        %add3A_322 = arith.addf %scan3A_304, %get3A_321 : vector<16xf32>
        %get3A_323 = arith.constant 0 : i32
        %get3A_324 = arith.index_cast %get3A_323 : i32 to index
        %get3A_325 = arith.index_cast %scan3A_302 : i32 to index
        %get3A_326 = arith.constant 32 : index
        %get3A_327 = tpu.vector_load %arg9[%get3A_324, %get3A_325, %get3A_326] {strides = array<i32>} : memref<4x128x128xf32, #tpu.memory_space<vmem>>, vector<16xf32>,
        %add3A_328 = arith.addf %scan3A_305, %get3A_327 : vector<16xf32>
        %get3A_329 = arith.constant 0 : i32
        %get3A_330 = arith.index_cast %get3A_329 : i32 to index
        %get3A_331 = arith.index_cast %scan3A_302 : i32 to index
        %get3A_332 = arith.constant 48 : index
        %get3A_333 = tpu.vector_load %arg9[%get3A_330, %get3A_331, %get3A_332] {strides = array<i32>} : memref<4x128x128xf32, #tpu.memory_space<vmem>>, vector<16xf32>,
        %add3A_334 = arith.addf %scan3A_306, %get3A_333 : vector<16xf32>
        %get3A_335 = arith.constant 0 : i32
        %get3A_336 = arith.index_cast %get3A_335 : i32 to index
        %get3A_337 = arith.index_cast %scan3A_302 : i32 to index
        %get3A_338 = arith.constant 64 : index
        %get3A_339 = tpu.vector_load %arg9[%get3A_336, %get3A_337, %get3A_338] {strides = array<i32>} : memref<4x128x128xf32, #tpu.memory_space<vmem>>, vector<16xf32>,
        %add3A_340 = arith.addf %scan3A_307, %get3A_339 : vector<16xf32>
        %get3A_341 = arith.constant 0 : i32
        %get3A_342 = arith.index_cast %get3A_341 : i32 to index
        %get3A_343 = arith.index_cast %scan3A_302 : i32 to index
        %get3A_344 = arith.constant 80 : index
        %get3A_345 = tpu.vector_load %arg9[%get3A_342, %get3A_343, %get3A_344] {strides = array<i32>} : memref<4x128x128xf32, #tpu.memory_space<vmem>>, vector<16xf32>,
        %add3A_346 = arith.addf %scan3A_308, %get3A_345 : vector<16xf32>
        %get3A_347 = arith.constant 0 : i32
        %get3A_348 = arith.index_cast %get3A_347 : i32 to index
        %get3A_349 = arith.index_cast %scan3A_302 : i32 to index
        %get3A_350 = arith.constant 96 : index
        %get3A_351 = tpu.vector_load %arg9[%get3A_348, %get3A_349, %get3A_350] {strides = array<i32>} : memref<4x128x128xf32, #tpu.memory_space<vmem>>, vector<16xf32>,
        %add3A_352 = arith.addf %scan3A_309, %get3A_351 : vector<16xf32>
        %get3A_353 = arith.constant 0 : i32
        %get3A_354 = arith.index_cast %get3A_353 : i32 to index
        %get3A_355 = arith.index_cast %scan3A_302 : i32 to index
        %get3A_356 = arith.constant 112 : index
        %get3A_357 = tpu.vector_load %arg9[%get3A_354, %get3A_355, %get3A_356] {strides = array<i32>} : memref<4x128x128xf32, #tpu.memory_space<vmem>>, vector<16xf32>,
        %add3A_358 = arith.addf %scan3A_310, %get3A_357 : vector<16xf32>
        scf.yield %add3A_316, %add3A_322, %add3A_328, %add3A_334, %add3A_340, %add3A_346, %add3A_352, %add3A_358 : vector<16xf32>, vector<16xf32>, vector<16xf32>, vector<16xf32>, vector<16xf32>, vector<16xf32>, vector<16xf32>, vector<16xf32>
      }
      %scan3A_175 = arith.constant 128 : i32
      %mul3A_176 = arith.constant 4 : i32
      %mul3A_177 = arith.muli %scan3A_62, %mul3A_176 : i32
      %add3A_178 = arith.constant 1 : i32
      %add3A_179 = arith.addi %mul3A_177, %add3A_178 : i32
      %add3A_180 = arith.constant 4 : i32
      %add3A_181 = arith.addi %add3A_179, %add3A_180 : i32
      %sub3A_182 = arith.constant 1 : i32
      %sub3A_183 = arith.subi %add3A_181, %sub3A_182 : i32
      %lt3A_184 = arith.constant 128 : i32
      %lt3A_185 = arith.cmpi slt, %sub3A_183, %lt3A_184 : i32
      %convert_element_type3A_186 = arith.extui %lt3A_185 : i1 to i32
      %cond3A_187 = arith.constant 0 : i32
      %cond3A_188 = arith.cmpi ne, %convert_element_type3A_186, %cond3A_187 : i32
      scf.if %cond3A_188 {
        %mul3A_302 = arith.constant 128 : i32
        %mul3A_303 = arith.muli %sub3A_183, %mul3A_302 : i32
        %dma_start3A_304 = arith.constant 0 : i32
        %dma_start3A_305 = arith.constant 0 : i32
        %dma_start3A_306 = arith.constant 0 : i32
        %dma_start3A_307 = tpu.memref_slice %arg9[%dma_start3A_304, %dma_start3A_305, %dma_start3A_306] : memref<4x128x128xf32, #tpu.memory_space<vmem>> -> memref<1x128x128xf32, #tpu.memory_space<vmem>>
        %dma_start3A_308 = tpu.memref_squeeze %dma_start3A_307 : memref<1x128x128xf32, #tpu.memory_space<vmem>> -> memref<128x128xf32, #tpu.memory_space<vmem>>
        %dma_start3A_309 = tpu.memref_slice %arg8[%mul3A_303] : memref<16384xi32, #tpu.memory_space<vmem>> -> memref<128xi32, #tpu.memory_space<vmem>>
        %dma_start3A_310 = arith.constant 0 : i32
        %dma_start3A_311 = arith.constant 0 : i32
        %dma_start3A_312 = tpu.memref_slice %arg4[%dma_start3A_310, %dma_start3A_311] : memref<100000x128xf32, #tpu.memory_space<hbm>> -> memref<100000x128xf32, #tpu.memory_space<hbm>>
        tpu.enqueue_indirect_dma source(%dma_start3A_312 : memref<100000x128xf32, #tpu.memory_space<hbm>>) target(%dma_start3A_308 : memref<128x128xf32, #tpu.memory_space<vmem>>) offsets(%dma_start3A_309 : memref<128xi32, #tpu.memory_space<vmem>>) semaphore(%arg13 : memref<!tpu.dma_semaphore, #tpu.memory_space<semaphore_mem>>)
      } else {
      }
      %dma_wait3A_189 = arith.constant 0 : i32
      %dma_wait3A_190 = arith.constant 0 : i32
      %dma_wait3A_191 = arith.constant 0 : i32
      %dma_wait3A_192 = tpu.memref_slice %arg9[%dma_wait3A_189, %dma_wait3A_190, %dma_wait3A_191] : memref<4x128x128xf32, #tpu.memory_space<vmem>> -> memref<1x128x128xf32, #tpu.memory_space<vmem>>
      %dma_wait3A_193 = tpu.memref_squeeze %dma_wait3A_192 : memref<1x128x128xf32, #tpu.memory_space<vmem>> -> memref<128x128xf32, #tpu.memory_space<vmem>>
      %dma_wait3A_194 = arith.constant 0 : i32
      %dma_wait3A_195 = arith.constant 0 : i32
      %dma_wait3A_196 = tpu.memref_slice %arg4[%dma_wait3A_194, %dma_wait3A_195] : memref<100000x128xf32, #tpu.memory_space<hbm>> -> memref<128x128xf32, #tpu.memory_space<hbm>>
      %dma_wait3A_197 = arith.constant 0 : i32
      %dma_wait3A_198 = arith.constant 0 : i32
      %dma_wait3A_199 = tpu.memref_slice %arg9[%dma_wait3A_189, %dma_wait3A_197, %dma_wait3A_198] : memref<4x128x128xf32, #tpu.memory_space<vmem>> -> memref<1x128x128xf32, #tpu.memory_space<vmem>>
      %dma_wait3A_200 = tpu.memref_squeeze %dma_wait3A_199 : memref<1x128x128xf32, #tpu.memory_space<vmem>> -> memref<128x128xf32, #tpu.memory_space<vmem>>
      %dma_wait3A_201 = arith.constant 0 : i32
      %dma_wait3A_202 = arith.constant 0 : i32
      %dma_wait3A_203 = tpu.memref_slice %arg4[%dma_wait3A_201, %dma_wait3A_202] : memref<100000x128xf32, #tpu.memory_space<hbm>> -> memref<128x128xf32, #tpu.memory_space<hbm>>
      tpu.wait_dma2 semaphore(%arg13 : memref<!tpu.dma_semaphore, #tpu.memory_space<semaphore_mem>>) src(%dma_wait3A_203 : memref<128x128xf32, #tpu.memory_space<hbm>>) dst(%dma_wait3A_200 : memref<128x128xf32, #tpu.memory_space<vmem>>)
      %scan3A_204 = arith.constant 0 : i32
      %scan3A_205 = arith.constant 128 : i32
      %scan3A_206 = arith.addi %scan3A_204, %scan3A_205 : i32
      %scan3A_207 = arith.constant 1 : i32
      %scan3A_208:8 = scf.for %scan3A_302 = %scan3A_204 to %scan3A_206 step %scan3A_207 iter_args(%scan3A_303 = %scan3A_174#0, %scan3A_304 = %scan3A_174#1, %scan3A_305 = %scan3A_174#2, %scan3A_306 = %scan3A_174#3, %scan3A_307 = %scan3A_174#4, %scan3A_308 = %scan3A_174#5, %scan3A_309 = %scan3A_174#6, %scan3A_310 = %scan3A_174#7) -> (vector<16xf32>, vector<16xf32>, vector<16xf32>, vector<16xf32>, vector<16xf32>, vector<16xf32>, vector<16xf32>, vector<16xf32>)  : i32 {
        %get3A_311 = arith.constant 1 : i32
        %get3A_312 = arith.index_cast %get3A_311 : i32 to index
        %get3A_313 = arith.index_cast %scan3A_302 : i32 to index
        %get3A_314 = arith.constant 0 : index
        %get3A_315 = tpu.vector_load %arg9[%get3A_312, %get3A_313, %get3A_314] {strides = array<i32>} : memref<4x128x128xf32, #tpu.memory_space<vmem>>, vector<16xf32>,
        %add3A_316 = arith.addf %scan3A_303, %get3A_315 : vector<16xf32>
        %get3A_317 = arith.constant 1 : i32
        %get3A_318 = arith.index_cast %get3A_317 : i32 to index
        %get3A_319 = arith.index_cast %scan3A_302 : i32 to index
        %get3A_320 = arith.constant 16 : index
        %get3A_321 = tpu.vector_load %arg9[%get3A_318, %get3A_319, %get3A_320] {strides = array<i32>} : memref<4x128x128xf32, #tpu.memory_space<vmem>>, vector<16xf32>,
        %add3A_322 = arith.addf %scan3A_304, %get3A_321 : vector<16xf32>
        %get3A_323 = arith.constant 1 : i32
        %get3A_324 = arith.index_cast %get3A_323 : i32 to index
        %get3A_325 = arith.index_cast %scan3A_302 : i32 to index
        %get3A_326 = arith.constant 32 : index
        %get3A_327 = tpu.vector_load %arg9[%get3A_324, %get3A_325, %get3A_326] {strides = array<i32>} : memref<4x128x128xf32, #tpu.memory_space<vmem>>, vector<16xf32>,
        %add3A_328 = arith.addf %scan3A_305, %get3A_327 : vector<16xf32>
        %get3A_329 = arith.constant 1 : i32
        %get3A_330 = arith.index_cast %get3A_329 : i32 to index
        %get3A_331 = arith.index_cast %scan3A_302 : i32 to index
        %get3A_332 = arith.constant 48 : index
        %get3A_333 = tpu.vector_load %arg9[%get3A_330, %get3A_331, %get3A_332] {strides = array<i32>} : memref<4x128x128xf32, #tpu.memory_space<vmem>>, vector<16xf32>,
        %add3A_334 = arith.addf %scan3A_306, %get3A_333 : vector<16xf32>
        %get3A_335 = arith.constant 1 : i32
        %get3A_336 = arith.index_cast %get3A_335 : i32 to index
        %get3A_337 = arith.index_cast %scan3A_302 : i32 to index
        %get3A_338 = arith.constant 64 : index
        %get3A_339 = tpu.vector_load %arg9[%get3A_336, %get3A_337, %get3A_338] {strides = array<i32>} : memref<4x128x128xf32, #tpu.memory_space<vmem>>, vector<16xf32>,
        %add3A_340 = arith.addf %scan3A_307, %get3A_339 : vector<16xf32>
        %get3A_341 = arith.constant 1 : i32
        %get3A_342 = arith.index_cast %get3A_341 : i32 to index
        %get3A_343 = arith.index_cast %scan3A_302 : i32 to index
        %get3A_344 = arith.constant 80 : index
        %get3A_345 = tpu.vector_load %arg9[%get3A_342, %get3A_343, %get3A_344] {strides = array<i32>} : memref<4x128x128xf32, #tpu.memory_space<vmem>>, vector<16xf32>,
        %add3A_346 = arith.addf %scan3A_308, %get3A_345 : vector<16xf32>
        %get3A_347 = arith.constant 1 : i32
        %get3A_348 = arith.index_cast %get3A_347 : i32 to index
        %get3A_349 = arith.index_cast %scan3A_302 : i32 to index
        %get3A_350 = arith.constant 96 : index
        %get3A_351 = tpu.vector_load %arg9[%get3A_348, %get3A_349, %get3A_350] {strides = array<i32>} : memref<4x128x128xf32, #tpu.memory_space<vmem>>, vector<16xf32>,
        %add3A_352 = arith.addf %scan3A_309, %get3A_351 : vector<16xf32>
        %get3A_353 = arith.constant 1 : i32
        %get3A_354 = arith.index_cast %get3A_353 : i32 to index
        %get3A_355 = arith.index_cast %scan3A_302 : i32 to index
        %get3A_356 = arith.constant 112 : index
        %get3A_357 = tpu.vector_load %arg9[%get3A_354, %get3A_355, %get3A_356] {strides = array<i32>} : memref<4x128x128xf32, #tpu.memory_space<vmem>>, vector<16xf32>,
        %add3A_358 = arith.addf %scan3A_310, %get3A_357 : vector<16xf32>
        scf.yield %add3A_316, %add3A_322, %add3A_328, %add3A_334, %add3A_340, %add3A_346, %add3A_352, %add3A_358 : vector<16xf32>, vector<16xf32>, vector<16xf32>, vector<16xf32>, vector<16xf32>, vector<16xf32>, vector<16xf32>, vector<16xf32>
      }
      %scan3A_209 = arith.constant 128 : i32
      %mul3A_210 = arith.constant 4 : i32
      %mul3A_211 = arith.muli %scan3A_62, %mul3A_210 : i32
      %add3A_212 = arith.constant 2 : i32
      %add3A_213 = arith.addi %mul3A_211, %add3A_212 : i32
      %add3A_214 = arith.constant 4 : i32
      %add3A_215 = arith.addi %add3A_213, %add3A_214 : i32
      %sub3A_216 = arith.constant 1 : i32
      %sub3A_217 = arith.subi %add3A_215, %sub3A_216 : i32
      %lt3A_218 = arith.constant 128 : i32
      %lt3A_219 = arith.cmpi slt, %sub3A_217, %lt3A_218 : i32
      %convert_element_type3A_220 = arith.extui %lt3A_219 : i1 to i32
      %cond3A_221 = arith.constant 0 : i32
      %cond3A_222 = arith.cmpi ne, %convert_element_type3A_220, %cond3A_221 : i32
      scf.if %cond3A_222 {
        %mul3A_302 = arith.constant 128 : i32
        %mul3A_303 = arith.muli %sub3A_217, %mul3A_302 : i32
        %dma_start3A_304 = arith.constant 1 : i32
        %dma_start3A_305 = arith.constant 0 : i32
        %dma_start3A_306 = arith.constant 0 : i32
        %dma_start3A_307 = tpu.memref_slice %arg9[%dma_start3A_304, %dma_start3A_305, %dma_start3A_306] : memref<4x128x128xf32, #tpu.memory_space<vmem>> -> memref<1x128x128xf32, #tpu.memory_space<vmem>>
        %dma_start3A_308 = tpu.memref_squeeze %dma_start3A_307 : memref<1x128x128xf32, #tpu.memory_space<vmem>> -> memref<128x128xf32, #tpu.memory_space<vmem>>
        %dma_start3A_309 = tpu.memref_slice %arg8[%mul3A_303] : memref<16384xi32, #tpu.memory_space<vmem>> -> memref<128xi32, #tpu.memory_space<vmem>>
        %dma_start3A_310 = arith.constant 0 : i32
        %dma_start3A_311 = arith.constant 0 : i32
        %dma_start3A_312 = tpu.memref_slice %arg4[%dma_start3A_310, %dma_start3A_311] : memref<100000x128xf32, #tpu.memory_space<hbm>> -> memref<100000x128xf32, #tpu.memory_space<hbm>>
        tpu.enqueue_indirect_dma source(%dma_start3A_312 : memref<100000x128xf32, #tpu.memory_space<hbm>>) target(%dma_start3A_308 : memref<128x128xf32, #tpu.memory_space<vmem>>) offsets(%dma_start3A_309 : memref<128xi32, #tpu.memory_space<vmem>>) semaphore(%arg13 : memref<!tpu.dma_semaphore, #tpu.memory_space<semaphore_mem>>)
      } else {
      }
      %dma_wait3A_223 = arith.constant 0 : i32
      %dma_wait3A_224 = arith.constant 0 : i32
      %dma_wait3A_225 = arith.constant 0 : i32
      %dma_wait3A_226 = tpu.memref_slice %arg9[%dma_wait3A_223, %dma_wait3A_224, %dma_wait3A_225] : memref<4x128x128xf32, #tpu.memory_space<vmem>> -> memref<1x128x128xf32, #tpu.memory_space<vmem>>
      %dma_wait3A_227 = tpu.memref_squeeze %dma_wait3A_226 : memref<1x128x128xf32, #tpu.memory_space<vmem>> -> memref<128x128xf32, #tpu.memory_space<vmem>>
      %dma_wait3A_228 = arith.constant 0 : i32
      %dma_wait3A_229 = arith.constant 0 : i32
      %dma_wait3A_230 = tpu.memref_slice %arg4[%dma_wait3A_228, %dma_wait3A_229] : memref<100000x128xf32, #tpu.memory_space<hbm>> -> memref<128x128xf32, #tpu.memory_space<hbm>>
      %dma_wait3A_231 = arith.constant 0 : i32
      %dma_wait3A_232 = arith.constant 0 : i32
      %dma_wait3A_233 = tpu.memref_slice %arg9[%dma_wait3A_223, %dma_wait3A_231, %dma_wait3A_232] : memref<4x128x128xf32, #tpu.memory_space<vmem>> -> memref<1x128x128xf32, #tpu.memory_space<vmem>>
      %dma_wait3A_234 = tpu.memref_squeeze %dma_wait3A_233 : memref<1x128x128xf32, #tpu.memory_space<vmem>> -> memref<128x128xf32, #tpu.memory_space<vmem>>
      %dma_wait3A_235 = arith.constant 0 : i32
      %dma_wait3A_236 = arith.constant 0 : i32
      %dma_wait3A_237 = tpu.memref_slice %arg4[%dma_wait3A_235, %dma_wait3A_236] : memref<100000x128xf32, #tpu.memory_space<hbm>> -> memref<128x128xf32, #tpu.memory_space<hbm>>
      tpu.wait_dma2 semaphore(%arg13 : memref<!tpu.dma_semaphore, #tpu.memory_space<semaphore_mem>>) src(%dma_wait3A_237 : memref<128x128xf32, #tpu.memory_space<hbm>>) dst(%dma_wait3A_234 : memref<128x128xf32, #tpu.memory_space<vmem>>)
      %scan3A_238 = arith.constant 0 : i32
      %scan3A_239 = arith.constant 128 : i32
      %scan3A_240 = arith.addi %scan3A_238, %scan3A_239 : i32
      %scan3A_241 = arith.constant 1 : i32
      %scan3A_242:8 = scf.for %scan3A_302 = %scan3A_238 to %scan3A_240 step %scan3A_241 iter_args(%scan3A_303 = %scan3A_208#0, %scan3A_304 = %scan3A_208#1, %scan3A_305 = %scan3A_208#2, %scan3A_306 = %scan3A_208#3, %scan3A_307 = %scan3A_208#4, %scan3A_308 = %scan3A_208#5, %scan3A_309 = %scan3A_208#6, %scan3A_310 = %scan3A_208#7) -> (vector<16xf32>, vector<16xf32>, vector<16xf32>, vector<16xf32>, vector<16xf32>, vector<16xf32>, vector<16xf32>, vector<16xf32>)  : i32 {
        %get3A_311 = arith.constant 2 : i32
        %get3A_312 = arith.index_cast %get3A_311 : i32 to index
        %get3A_313 = arith.index_cast %scan3A_302 : i32 to index
        %get3A_314 = arith.constant 0 : index
        %get3A_315 = tpu.vector_load %arg9[%get3A_312, %get3A_313, %get3A_314] {strides = array<i32>} : memref<4x128x128xf32, #tpu.memory_space<vmem>>, vector<16xf32>,
        %add3A_316 = arith.addf %scan3A_303, %get3A_315 : vector<16xf32>
        %get3A_317 = arith.constant 2 : i32
        %get3A_318 = arith.index_cast %get3A_317 : i32 to index
        %get3A_319 = arith.index_cast %scan3A_302 : i32 to index
        %get3A_320 = arith.constant 16 : index
        %get3A_321 = tpu.vector_load %arg9[%get3A_318, %get3A_319, %get3A_320] {strides = array<i32>} : memref<4x128x128xf32, #tpu.memory_space<vmem>>, vector<16xf32>,
        %add3A_322 = arith.addf %scan3A_304, %get3A_321 : vector<16xf32>
        %get3A_323 = arith.constant 2 : i32
        %get3A_324 = arith.index_cast %get3A_323 : i32 to index
        %get3A_325 = arith.index_cast %scan3A_302 : i32 to index
        %get3A_326 = arith.constant 32 : index
        %get3A_327 = tpu.vector_load %arg9[%get3A_324, %get3A_325, %get3A_326] {strides = array<i32>} : memref<4x128x128xf32, #tpu.memory_space<vmem>>, vector<16xf32>,
        %add3A_328 = arith.addf %scan3A_305, %get3A_327 : vector<16xf32>
        %get3A_329 = arith.constant 2 : i32
        %get3A_330 = arith.index_cast %get3A_329 : i32 to index
        %get3A_331 = arith.index_cast %scan3A_302 : i32 to index
        %get3A_332 = arith.constant 48 : index
        %get3A_333 = tpu.vector_load %arg9[%get3A_330, %get3A_331, %get3A_332] {strides = array<i32>} : memref<4x128x128xf32, #tpu.memory_space<vmem>>, vector<16xf32>,
        %add3A_334 = arith.addf %scan3A_306, %get3A_333 : vector<16xf32>
        %get3A_335 = arith.constant 2 : i32
        %get3A_336 = arith.index_cast %get3A_335 : i32 to index
        %get3A_337 = arith.index_cast %scan3A_302 : i32 to index
        %get3A_338 = arith.constant 64 : index
        %get3A_339 = tpu.vector_load %arg9[%get3A_336, %get3A_337, %get3A_338] {strides = array<i32>} : memref<4x128x128xf32, #tpu.memory_space<vmem>>, vector<16xf32>,
        %add3A_340 = arith.addf %scan3A_307, %get3A_339 : vector<16xf32>
        %get3A_341 = arith.constant 2 : i32
        %get3A_342 = arith.index_cast %get3A_341 : i32 to index
        %get3A_343 = arith.index_cast %scan3A_302 : i32 to index
        %get3A_344 = arith.constant 80 : index
        %get3A_345 = tpu.vector_load %arg9[%get3A_342, %get3A_343, %get3A_344] {strides = array<i32>} : memref<4x128x128xf32, #tpu.memory_space<vmem>>, vector<16xf32>,
        %add3A_346 = arith.addf %scan3A_308, %get3A_345 : vector<16xf32>
        %get3A_347 = arith.constant 2 : i32
        %get3A_348 = arith.index_cast %get3A_347 : i32 to index
        %get3A_349 = arith.index_cast %scan3A_302 : i32 to index
        %get3A_350 = arith.constant 96 : index
        %get3A_351 = tpu.vector_load %arg9[%get3A_348, %get3A_349, %get3A_350] {strides = array<i32>} : memref<4x128x128xf32, #tpu.memory_space<vmem>>, vector<16xf32>,
        %add3A_352 = arith.addf %scan3A_309, %get3A_351 : vector<16xf32>
        %get3A_353 = arith.constant 2 : i32
        %get3A_354 = arith.index_cast %get3A_353 : i32 to index
        %get3A_355 = arith.index_cast %scan3A_302 : i32 to index
        %get3A_356 = arith.constant 112 : index
        %get3A_357 = tpu.vector_load %arg9[%get3A_354, %get3A_355, %get3A_356] {strides = array<i32>} : memref<4x128x128xf32, #tpu.memory_space<vmem>>, vector<16xf32>,
        %add3A_358 = arith.addf %scan3A_310, %get3A_357 : vector<16xf32>
        scf.yield %add3A_316, %add3A_322, %add3A_328, %add3A_334, %add3A_340, %add3A_346, %add3A_352, %add3A_358 : vector<16xf32>, vector<16xf32>, vector<16xf32>, vector<16xf32>, vector<16xf32>, vector<16xf32>, vector<16xf32>, vector<16xf32>
      }
      %scan3A_243 = arith.constant 128 : i32
      %mul3A_244 = arith.constant 4 : i32
      %mul3A_245 = arith.muli %scan3A_62, %mul3A_244 : i32
      %add3A_246 = arith.constant 3 : i32
      %add3A_247 = arith.addi %mul3A_245, %add3A_246 : i32
      %add3A_248 = arith.constant 4 : i32
      %add3A_249 = arith.addi %add3A_247, %add3A_248 : i32
      %sub3A_250 = arith.constant 1 : i32
      %sub3A_251 = arith.subi %add3A_249, %sub3A_250 : i32
      %lt3A_252 = arith.constant 128 : i32
      %lt3A_253 = arith.cmpi slt, %sub3A_251, %lt3A_252 : i32
      %convert_element_type3A_254 = arith.extui %lt3A_253 : i1 to i32
      %cond3A_255 = arith.constant 0 : i32
      %cond3A_256 = arith.cmpi ne, %convert_element_type3A_254, %cond3A_255 : i32
      scf.if %cond3A_256 {
        %mul3A_302 = arith.constant 128 : i32
        %mul3A_303 = arith.muli %sub3A_251, %mul3A_302 : i32
        %dma_start3A_304 = arith.constant 2 : i32
        %dma_start3A_305 = arith.constant 0 : i32
        %dma_start3A_306 = arith.constant 0 : i32
        %dma_start3A_307 = tpu.memref_slice %arg9[%dma_start3A_304, %dma_start3A_305, %dma_start3A_306] : memref<4x128x128xf32, #tpu.memory_space<vmem>> -> memref<1x128x128xf32, #tpu.memory_space<vmem>>
        %dma_start3A_308 = tpu.memref_squeeze %dma_start3A_307 : memref<1x128x128xf32, #tpu.memory_space<vmem>> -> memref<128x128xf32, #tpu.memory_space<vmem>>
        %dma_start3A_309 = tpu.memref_slice %arg8[%mul3A_303] : memref<16384xi32, #tpu.memory_space<vmem>> -> memref<128xi32, #tpu.memory_space<vmem>>
        %dma_start3A_310 = arith.constant 0 : i32
        %dma_start3A_311 = arith.constant 0 : i32
        %dma_start3A_312 = tpu.memref_slice %arg4[%dma_start3A_310, %dma_start3A_311] : memref<100000x128xf32, #tpu.memory_space<hbm>> -> memref<100000x128xf32, #tpu.memory_space<hbm>>
        tpu.enqueue_indirect_dma source(%dma_start3A_312 : memref<100000x128xf32, #tpu.memory_space<hbm>>) target(%dma_start3A_308 : memref<128x128xf32, #tpu.memory_space<vmem>>) offsets(%dma_start3A_309 : memref<128xi32, #tpu.memory_space<vmem>>) semaphore(%arg13 : memref<!tpu.dma_semaphore, #tpu.memory_space<semaphore_mem>>)
      } else {
      }
      %dma_wait3A_257 = arith.constant 0 : i32
      %dma_wait3A_258 = arith.constant 0 : i32
      %dma_wait3A_259 = arith.constant 0 : i32
      %dma_wait3A_260 = tpu.memref_slice %arg9[%dma_wait3A_257, %dma_wait3A_258, %dma_wait3A_259] : memref<4x128x128xf32, #tpu.memory_space<vmem>> -> memref<1x128x128xf32, #tpu.memory_space<vmem>>
      %dma_wait3A_261 = tpu.memref_squeeze %dma_wait3A_260 : memref<1x128x128xf32, #tpu.memory_space<vmem>> -> memref<128x128xf32, #tpu.memory_space<vmem>>
      %dma_wait3A_262 = arith.constant 0 : i32
      %dma_wait3A_263 = arith.constant 0 : i32
      %dma_wait3A_264 = tpu.memref_slice %arg4[%dma_wait3A_262, %dma_wait3A_263] : memref<100000x128xf32, #tpu.memory_space<hbm>> -> memref<128x128xf32, #tpu.memory_space<hbm>>
      %dma_wait3A_265 = arith.constant 0 : i32
      %dma_wait3A_266 = arith.constant 0 : i32
      %dma_wait3A_267 = tpu.memref_slice %arg9[%dma_wait3A_257, %dma_wait3A_265, %dma_wait3A_266] : memref<4x128x128xf32, #tpu.memory_space<vmem>> -> memref<1x128x128xf32, #tpu.memory_space<vmem>>
      %dma_wait3A_268 = tpu.memref_squeeze %dma_wait3A_267 : memref<1x128x128xf32, #tpu.memory_space<vmem>> -> memref<128x128xf32, #tpu.memory_space<vmem>>
      %dma_wait3A_269 = arith.constant 0 : i32
      %dma_wait3A_270 = arith.constant 0 : i32
      %dma_wait3A_271 = tpu.memref_slice %arg4[%dma_wait3A_269, %dma_wait3A_270] : memref<100000x128xf32, #tpu.memory_space<hbm>> -> memref<128x128xf32, #tpu.memory_space<hbm>>
      tpu.wait_dma2 semaphore(%arg13 : memref<!tpu.dma_semaphore, #tpu.memory_space<semaphore_mem>>) src(%dma_wait3A_271 : memref<128x128xf32, #tpu.memory_space<hbm>>) dst(%dma_wait3A_268 : memref<128x128xf32, #tpu.memory_space<vmem>>)
      %scan3A_272 = arith.constant 0 : i32
      %scan3A_273 = arith.constant 128 : i32
      %scan3A_274 = arith.addi %scan3A_272, %scan3A_273 : i32
      %scan3A_275 = arith.constant 1 : i32
      %scan3A_276:8 = scf.for %scan3A_302 = %scan3A_272 to %scan3A_274 step %scan3A_275 iter_args(%scan3A_303 = %scan3A_242#0, %scan3A_304 = %scan3A_242#1, %scan3A_305 = %scan3A_242#2, %scan3A_306 = %scan3A_242#3, %scan3A_307 = %scan3A_242#4, %scan3A_308 = %scan3A_242#5, %scan3A_309 = %scan3A_242#6, %scan3A_310 = %scan3A_242#7) -> (vector<16xf32>, vector<16xf32>, vector<16xf32>, vector<16xf32>, vector<16xf32>, vector<16xf32>, vector<16xf32>, vector<16xf32>)  : i32 {
        %get3A_311 = arith.constant 3 : i32
        %get3A_312 = arith.index_cast %get3A_311 : i32 to index
        %get3A_313 = arith.index_cast %scan3A_302 : i32 to index
        %get3A_314 = arith.constant 0 : index
        %get3A_315 = tpu.vector_load %arg9[%get3A_312, %get3A_313, %get3A_314] {strides = array<i32>} : memref<4x128x128xf32, #tpu.memory_space<vmem>>, vector<16xf32>,
        %add3A_316 = arith.addf %scan3A_303, %get3A_315 : vector<16xf32>
        %get3A_317 = arith.constant 3 : i32
        %get3A_318 = arith.index_cast %get3A_317 : i32 to index
        %get3A_319 = arith.index_cast %scan3A_302 : i32 to index
        %get3A_320 = arith.constant 16 : index
        %get3A_321 = tpu.vector_load %arg9[%get3A_318, %get3A_319, %get3A_320] {strides = array<i32>} : memref<4x128x128xf32, #tpu.memory_space<vmem>>, vector<16xf32>,
        %add3A_322 = arith.addf %scan3A_304, %get3A_321 : vector<16xf32>
        %get3A_323 = arith.constant 3 : i32
        %get3A_324 = arith.index_cast %get3A_323 : i32 to index
        %get3A_325 = arith.index_cast %scan3A_302 : i32 to index
        %get3A_326 = arith.constant 32 : index
        %get3A_327 = tpu.vector_load %arg9[%get3A_324, %get3A_325, %get3A_326] {strides = array<i32>} : memref<4x128x128xf32, #tpu.memory_space<vmem>>, vector<16xf32>,
        %add3A_328 = arith.addf %scan3A_305, %get3A_327 : vector<16xf32>
        %get3A_329 = arith.constant 3 : i32
        %get3A_330 = arith.index_cast %get3A_329 : i32 to index
        %get3A_331 = arith.index_cast %scan3A_302 : i32 to index
        %get3A_332 = arith.constant 48 : index
        %get3A_333 = tpu.vector_load %arg9[%get3A_330, %get3A_331, %get3A_332] {strides = array<i32>} : memref<4x128x128xf32, #tpu.memory_space<vmem>>, vector<16xf32>,
        %add3A_334 = arith.addf %scan3A_306, %get3A_333 : vector<16xf32>
        %get3A_335 = arith.constant 3 : i32
        %get3A_336 = arith.index_cast %get3A_335 : i32 to index
        %get3A_337 = arith.index_cast %scan3A_302 : i32 to index
        %get3A_338 = arith.constant 64 : index
        %get3A_339 = tpu.vector_load %arg9[%get3A_336, %get3A_337, %get3A_338] {strides = array<i32>} : memref<4x128x128xf32, #tpu.memory_space<vmem>>, vector<16xf32>,
        %add3A_340 = arith.addf %scan3A_307, %get3A_339 : vector<16xf32>
        %get3A_341 = arith.constant 3 : i32
        %get3A_342 = arith.index_cast %get3A_341 : i32 to index
        %get3A_343 = arith.index_cast %scan3A_302 : i32 to index
        %get3A_344 = arith.constant 80 : index
        %get3A_345 = tpu.vector_load %arg9[%get3A_342, %get3A_343, %get3A_344] {strides = array<i32>} : memref<4x128x128xf32, #tpu.memory_space<vmem>>, vector<16xf32>,
        %add3A_346 = arith.addf %scan3A_308, %get3A_345 : vector<16xf32>
        %get3A_347 = arith.constant 3 : i32
        %get3A_348 = arith.index_cast %get3A_347 : i32 to index
        %get3A_349 = arith.index_cast %scan3A_302 : i32 to index
        %get3A_350 = arith.constant 96 : index
        %get3A_351 = tpu.vector_load %arg9[%get3A_348, %get3A_349, %get3A_350] {strides = array<i32>} : memref<4x128x128xf32, #tpu.memory_space<vmem>>, vector<16xf32>,
        %add3A_352 = arith.addf %scan3A_309, %get3A_351 : vector<16xf32>
        %get3A_353 = arith.constant 3 : i32
        %get3A_354 = arith.index_cast %get3A_353 : i32 to index
        %get3A_355 = arith.index_cast %scan3A_302 : i32 to index
        %get3A_356 = arith.constant 112 : index
        %get3A_357 = tpu.vector_load %arg9[%get3A_354, %get3A_355, %get3A_356] {strides = array<i32>} : memref<4x128x128xf32, #tpu.memory_space<vmem>>, vector<16xf32>,
        %add3A_358 = arith.addf %scan3A_310, %get3A_357 : vector<16xf32>
        scf.yield %add3A_316, %add3A_322, %add3A_328, %add3A_334, %add3A_340, %add3A_346, %add3A_352, %add3A_358 : vector<16xf32>, vector<16xf32>, vector<16xf32>, vector<16xf32>, vector<16xf32>, vector<16xf32>, vector<16xf32>, vector<16xf32>
      }
      %scan3A_277 = arith.constant 128 : i32
      %swap3A = arith.index_cast %scan3A_62 : i32 to index
      %swap3A_278 = arith.constant 0 : index
      %swap3A_279 = tpu.vector_load %arg11[%swap3A, %swap3A_278] {strides = array<i32>} : memref<32x128xf32, #tpu.memory_space<vmem>>, vector<16xf32>,
      tpu.vector_store %arg11[%swap3A, %swap3A_278], %scan3A_276#0 {strides = array<i32>} : memref<32x128xf32, #tpu.memory_space<vmem>>, vector<16xf32>,
      %swap3A_280 = arith.index_cast %scan3A_62 : i32 to index
      %swap3A_281 = arith.constant 16 : index
      %swap3A_282 = tpu.vector_load %arg11[%swap3A_280, %swap3A_281] {strides = array<i32>} : memref<32x128xf32, #tpu.memory_space<vmem>>, vector<16xf32>,
      tpu.vector_store %arg11[%swap3A_280, %swap3A_281], %scan3A_276#1 {strides = array<i32>} : memref<32x128xf32, #tpu.memory_space<vmem>>, vector<16xf32>,
      %swap3A_283 = arith.index_cast %scan3A_62 : i32 to index
      %swap3A_284 = arith.constant 32 : index
      %swap3A_285 = tpu.vector_load %arg11[%swap3A_283, %swap3A_284] {strides = array<i32>} : memref<32x128xf32, #tpu.memory_space<vmem>>, vector<16xf32>,
      tpu.vector_store %arg11[%swap3A_283, %swap3A_284], %scan3A_276#2 {strides = array<i32>} : memref<32x128xf32, #tpu.memory_space<vmem>>, vector<16xf32>,
      %swap3A_286 = arith.index_cast %scan3A_62 : i32 to index
      %swap3A_287 = arith.constant 48 : index
      %swap3A_288 = tpu.vector_load %arg11[%swap3A_286, %swap3A_287] {strides = array<i32>} : memref<32x128xf32, #tpu.memory_space<vmem>>, vector<16xf32>,
      tpu.vector_store %arg11[%swap3A_286, %swap3A_287], %scan3A_276#3 {strides = array<i32>} : memref<32x128xf32, #tpu.memory_space<vmem>>, vector<16xf32>,
      %swap3A_289 = arith.index_cast %scan3A_62 : i32 to index
      %swap3A_290 = arith.constant 64 : index
      %swap3A_291 = tpu.vector_load %arg11[%swap3A_289, %swap3A_290] {strides = array<i32>} : memref<32x128xf32, #tpu.memory_space<vmem>>, vector<16xf32>,
      tpu.vector_store %arg11[%swap3A_289, %swap3A_290], %scan3A_276#4 {strides = array<i32>} : memref<32x128xf32, #tpu.memory_space<vmem>>, vector<16xf32>,
      %swap3A_292 = arith.index_cast %scan3A_62 : i32 to index
      %swap3A_293 = arith.constant 80 : index
      %swap3A_294 = tpu.vector_load %arg11[%swap3A_292, %swap3A_293] {strides = array<i32>} : memref<32x128xf32, #tpu.memory_space<vmem>>, vector<16xf32>,
      tpu.vector_store %arg11[%swap3A_292, %swap3A_293], %scan3A_276#5 {strides = array<i32>} : memref<32x128xf32, #tpu.memory_space<vmem>>, vector<16xf32>,
      %swap3A_295 = arith.index_cast %scan3A_62 : i32 to index
      %swap3A_296 = arith.constant 96 : index
      %swap3A_297 = tpu.vector_load %arg11[%swap3A_295, %swap3A_296] {strides = array<i32>} : memref<32x128xf32, #tpu.memory_space<vmem>>, vector<16xf32>,
      tpu.vector_store %arg11[%swap3A_295, %swap3A_296], %scan3A_276#6 {strides = array<i32>} : memref<32x128xf32, #tpu.memory_space<vmem>>, vector<16xf32>,
      %swap3A_298 = arith.index_cast %scan3A_62 : i32 to index
      %swap3A_299 = arith.constant 112 : index
      %swap3A_300 = tpu.vector_load %arg11[%swap3A_298, %swap3A_299] {strides = array<i32>} : memref<32x128xf32, #tpu.memory_space<vmem>>, vector<16xf32>,
      tpu.vector_store %arg11[%swap3A_298, %swap3A_299], %scan3A_276#7 {strides = array<i32>} : memref<32x128xf32, #tpu.memory_space<vmem>>, vector<16xf32>,
      %scan3A_301 = arith.constant 0 : i32
      scf.yield %scan3A_301 : i32
    }
    %scan3A_61 = arith.constant 32 : i32
    "tpu.region"() ({
      %run_scoped3A = tpu.sem_alloc : memref<!tpu.dma_semaphore, #tpu.memory_space<semaphore_mem>>
      %dma_start3A_62 = arith.constant 0 : i32
      %dma_start3A_63 = tpu.memref_slice %arg5[%mul3A_2, %dma_start3A_62] : memref<1024x128xf32, #tpu.memory_space<hbm>> -> memref<32x128xf32, #tpu.memory_space<hbm>>
      %dma_start3A_64 = arith.constant 0 : i32
      %dma_start3A_65 = tpu.memref_slice %arg5[%mul3A_2, %dma_start3A_64] : memref<1024x128xf32, #tpu.memory_space<hbm>> -> memref<32x128xf32, #tpu.memory_space<hbm>>
      tpu.enqueue_dma source(%arg11 : memref<32x128xf32, #tpu.memory_space<vmem>>) target(%dma_start3A_65 : memref<32x128xf32, #tpu.memory_space<hbm>>) target_semaphore(%run_scoped3A : memref<!tpu.dma_semaphore, #tpu.memory_space<semaphore_mem>>)
      %dma_wait3A_66 = arith.constant 0 : i32
      %dma_wait3A_67 = tpu.memref_slice %arg5[%mul3A_2, %dma_wait3A_66] : memref<1024x128xf32, #tpu.memory_space<hbm>> -> memref<32x128xf32, #tpu.memory_space<hbm>>
      %dma_wait3A_68 = arith.constant 0 : i32
      %dma_wait3A_69 = tpu.memref_slice %arg5[%mul3A_2, %dma_wait3A_68] : memref<1024x128xf32, #tpu.memory_space<hbm>> -> memref<32x128xf32, #tpu.memory_space<hbm>>
      tpu.wait_dma2 semaphore(%run_scoped3A : memref<!tpu.dma_semaphore, #tpu.memory_space<semaphore_mem>>) src(%arg11 : memref<32x128xf32, #tpu.memory_space<vmem>>) dst(%dma_wait3A_69 : memref<32x128xf32, #tpu.memory_space<hbm>>)
      tpu.yield
    }) : () -> ()
    return
  }
}

</mosaic_0001>

<sc_bundles>
// kernel: _bag.3.cloned.1.call-start
scs
__scs_entry_jumppad:
0x0: {  	(pc) =	sbr.rel $0x88, $3  }
0x1: {  	(tag) =	ssettag $0x0;
	lr =	simm.s32 $0x1  }
0x2: {  	[smem:$0x3F9E] =	sst lr;
	_ =	strace $0xD0000000  }
0x3: {  	_ = 	snop  }
0x4: {  	_ = 	snop  }
0x5: {  	_ = 	snop  }
0x6: {  	_ = 	snop  }
0x7: {  	_ = 	snop  }
__scs_overlays_trampoline_lowered:
0x8: {  	[smem:$0x3FAD] =	sst s0  }
0x9: {  	[smem:$0x3FAE] =	sst s1  }
0xa: {  	[smem:$0x3FAF] =	sst s2  }
0xb: {  	[smem:$0x3FB0] =	sst s3  }
0xc: {  	[smem:$0x3FB1] =	sst s4  }
0xd: {  	[smem:$0x3FB2] =	sst s5  }
0xe: {  	[smem:$0x3FB3] =	sst s6  }
0xf: {  	[smem:$0x3FB4] =	sst s7  }
0x10: {  	[smem:$0x3FB5] =	sst s8  }
0x11: {  	[smem:$0x3FB6] =	sst s9;
	s0 =	simm.s32 @!p0 $0x0  }
0x12: {  	s1 =	sld [smem:$0x3F9C];
	s0 =	simm.s32 @p0 $0x1  }
0x13: {  	[smem:$0x3FB7] =	sst s0;
	s0 =	simm.s32 @!p1 $0x0  }
0x14: {  	s2 =	sld [smem:$0x3F9B];
	s0 =	simm.s32 @p1 $0x1  }
0x15: {  	[smem:$0x3FB8] =	sst s0;
	s0 =	simm.s32 @!p2 $0x0  }
0x16: {  	s3 =	sld [smem:$0x3FDB];
	s0 =	simm.s32 @p2 $0x1  }
0x17: {  	s4 =	simm.s32 $0x1BF5;
	[smem:$0x3FBA] =	sst s0  }
0x18: {  	s0 =	sld [smem:$0x3F9D];
	_ =	swait.ge [sflag:s4], $0x0  }
0x19: {  	s7 =	sld [smem:$0x3F9E]  }
0x1a: {  	s8 =	sadd.s32 $0xFFFFE003, lr  }
0x1b: {  	s9 =	sadd.s32 $0xFFFFFEF7, lr;
	s5 =	simm.s32 $0xFFFFFFFF;
	p2 =	slt.u32 s8, $0xFFFFF086  }
0x1c: {  	p1 =	slt.u32 s9, $0xF7A;
	s5 =	simm.s32 @!p2 $0x0  }
0x1d: {  	s5 =	simm.s32 @p1 $0x1;
	p0 =	seq.s32 s7, s2  }
0x1e: {  	s7 =	smul.u32 @!p0 $0xF7A, s2;
	p2 =	seq.s32 @!p0 s5, $0x0  }
0x1f: {  	s9 =	smul.u32 $0xF7A, s1;
	s8 =	simm.s32 @!p0 $0x1BF5;
	p2 =	por !p2, p0  }
0x20: {  	[sflag:s8] =	ssyncset.s32 @!p0 $0xFFFFF086;
	s6 =	sadd.s32 @!p0 s3, s7;
	s7 =	simm.s32 @!p0 $0x108  }
0x21: {  	s3 =	sadd.s32 s3, s9;
	s6 =	sadd.s32 @!p0 $0x88, s6;
	s7 =	simm.s32 @p2 $0x1082  }
0x22: {  	[simem:s7], [sflag:s8] =	dma.local @!p0 [hbm:s6], $0xF7A  }
0x23: {  	s9 =	sor.u32 $0xD0000000, s2;
	s6 =	simm.s32 $0x108;
	_ =	swait.ge @!p0 [sflag:s8], $0x0  }
0x24: {  	s3 =	sadd.s32 $0x88, s3;
	s6 =	simm.s32 @!p1 $0x1082;
	[sflag:s4] =	ssyncset.s32 $0xFFFFF086  }
0x25: {  	[simem:s6], [sflag:s4] =	dma.local [hbm:s3], $0xF7A  }
0x26: {  	[smem:$0x3F9E] =	sst s1;
	(tag) =	ssettag s2;
	_ =	strace s9  }
0x27: {  	s1 =	sld [smem:$0x3FAE]  }
0x28: {  	s2 =	sld [smem:$0x3FAF]  }
0x29: {  	s4 =	sld [smem:$0x3FB1]  }
0x2a: {  	p0 =	seq.s32 s5, $0x0;
	s5 =	sld [smem:$0x3FB2]  }
0x2b: {  	s6 =	sld [smem:$0x3FB3]  }
0x2c: {  	s7 =	sld [smem:$0x3FB4]  }
0x2d: {  	s3 =	simm.s32 $0x108;
	s8 =	sld [smem:$0x3FB5]  }
0x2e: {  	s3 =	simm.s32 @!p0 $0x1082;
	s9 =	sld [smem:$0x3FB6]  }
0x2f: {  	lr =	sadd.s32 s0, s3;
	s0 =	sld [smem:$0x3FAD]  }
0x30: {  	s3 =	sld [smem:$0x3FB0]  }
0x31: {  	[smem:$0x3FB9] =	sst s10  }
0x32: {  	s10 =	sld [smem:$0x3FB7];
	_ =	sdelay $0x3  }
0x33: {  	p0 =	seq.s32 s10, $0x1;
	s10 =	sld [smem:$0x3FB9];
	_ =	sdelay $0x3  }
0x34: {  	[smem:$0x3FB9] =	sst s10  }
0x35: {  	s10 =	sld [smem:$0x3FB8];
	_ =	sdelay $0x3  }
0x36: {  	p1 =	seq.s32 s10, $0x1;
	s10 =	sld [smem:$0x3FB9];
	_ =	sdelay $0x3  }
0x37: {  	[smem:$0x3FB9] =	sst s10  }
0x38: {  	s10 =	sld [smem:$0x3FBA]  }
0x39: {  	_ = 	snop;
	(pc) =	sbr.ind lr, $3  }
0x3a: {  	_ = 	snop  }
0x3b: {  	_ = 	snop  }
0x3c: {  	p2 =	seq.s32 s10, $0x1;
	s10 =	sld [smem:$0x3FB9]  }
0x3d: {  	_ =	shalt  }
0x3e: {  	_ =	shalt  }
0x3f: {  	_ =	shalt  }
0x40: {  	_ =	shalt  }
0x41: {  	_ =	shalt  }
0x42: {  	_ =	shalt  }
0x43: {  	_ =	shalt  }
0x44: {  	_ =	shalt  }
0x45: {  	_ =	shalt  }
0x46: {  	_ =	shalt  }
0x47: {  	_ =	shalt  }
0x48: {  	_ =	shalt  }
0x49: {  	_ =	shalt  }
0x4a: {  	_ =	shalt  }
0x4b: {  	_ =	shalt  }
0x4c: {  	_ =	shalt  }
0x4d: {  	_ =	shalt  }
0x4e: {  	_ =	shalt  }
0x4f: {  	_ =	shalt  }
0x50: {  	_ =	shalt  }
0x51: {  	_ =	shalt  }
0x52: {  	_ =	shalt  }
0x53: {  	_ =	shalt  }
0x54: {  	_ =	shalt  }
0x55: {  	_ =	shalt  }
0x56: {  	_ =	shalt  }
0x57: {  	_ =	shalt  }
0x58: {  	_ =	shalt  }
0x59: {  	_ =	shalt  }
0x5a: {  	_ =	shalt  }
0x5b: {  	_ =	shalt  }
0x5c: {  	_ =	shalt  }
0x5d: {  	_ =	shalt  }
0x5e: {  	_ =	shalt  }
0x5f: {  	_ =	shalt  }
0x60: {  	_ =	shalt  }
0x61: {  	_ =	shalt  }
0x62: {  	_ =	shalt  }
0x63: {  	_ =	shalt  }
0x64: {  	_ =	shalt  }
0x65: {  	_ =	shalt  }
0x66: {  	_ =	shalt  }
0x67: {  	_ =	shalt  }
0x68: {  	_ =	shalt  }
0x69: {  	_ =	shalt  }
0x6a: {  	_ =	shalt  }
0x6b: {  	_ =	shalt  }
0x6c: {  	_ =	shalt  }
0x6d: {  	_ =	shalt  }
0x6e: {  	_ =	shalt  }
0x6f: {  	_ =	shalt  }
0x70: {  	_ =	shalt  }
0x71: {  	_ =	shalt  }
0x72: {  	_ =	shalt  }
0x73: {  	_ =	shalt  }
0x74: {  	_ =	shalt  }
0x75: {  	_ =	shalt  }
0x76: {  	_ =	shalt  }
0x77: {  	_ =	shalt  }
0x78: {  	_ =	shalt  }
0x79: {  	_ =	shalt  }
0x7a: {  	_ =	shalt  }
0x7b: {  	_ =	shalt  }
0x7c: {  	_ =	shalt  }
0x7d: {  	_ =	shalt  }
0x7e: {  	_ =	shalt  }
0x7f: {  	_ =	shalt  }
0x80: {  	_ =	shalt  }
0x81: {  	_ =	shalt  }
0x82: {  	_ =	shalt  }
0x83: {  	_ =	shalt  }
0x84: {  	_ =	shalt  }
0x85: {  	_ =	shalt  }
0x86: {  	_ =	shalt  }
0x87: {  	_ =	shalt  }
.Lfunc_end0:
.L_simem_size_0:
called_computation_lowered:
.L_overlay_start_0:
0x88: {  	s2 =	sld [smem:$0x3FD9]  }
0x89: {  	s3 =	sld [smem:$0x3FFE];
	_ =	sdelay $0x1  }
0x8a: {  	s1 =	srdreg.scid  }
0x8b: {  	s0 =	sand.u32 $0x1, s1  }
0x8c: {  	s18 =	sshll.u32 s0, $0xA;
	s2 =	sadd.s32 s3, s2  }
0x8d: {  	s2 =	sadd.s32 s2, s18  }
0x8e: {  	[smem:$0x3FC5] =	sst s2  }
0x8f: {  	_ = 	snop  }
0x90: {  	s2 =	sld [smem:$0x3FC9]  }
0x91: {  	s19 =	sld [smem:$0x3FC8]  }
0x92: {  	s4 =	sld [smem:$0x3FC7]  }
0x93: {  	s5 =	sld [smem:$0x3FD0];
	(tm) =	ssettm $0x1  }
0x94: {  	s6 =	sld [smem:$0x3FFB];
	_ =	sdelay $0x3  }
0x95: {  	_ =	strace s6  }
0x96: {  	s6 =	sld [smem:$0x3FFC];
	_ =	sdelay $0x3  }
0x97: {  	_ =	strace s6  }
0x98: {  	s6 =	sld [smem:$0x3FFD];
	_ =	sdelay $0x3  }
0x99: {  	_ =	strace s6  }
0x9a: {  	_ =	strace $0x8FFFFFFF  }
0x9b: {  	s20 =	sld [smem:$0x3FDB];
	_ =	sdelay $0x1  }
0x9c: {  	s7 =	simm.s32 $_scs_section_size  }
0x9d: {  	s8 =	simm.s32 $_size__tile_overlayer_lowered;
	s9 =	simm.s32 $_tile_overlayer_lowered  }
0x9e: {  	s23 =	simm.s32 $0x1BFF;
	s22 =	sshll.u32 s9, $0x1;
	s6 =	sadd.s32 s7, s20  }
0x9f: {  	s10 =	simm.s32 $0x0;
	s21 =	sshll.u32 s8, $0x1;
	s8 =	sadd.s32 s22, s6  }
0xa0: {  	[timem:s10], [sflag:s23] =	dma.local [hbm:s8], s21  }
0xa1: {  	_ =	swait.ge [sflag:s23], s21  }
0xa2: {  	s7 =	ssub.s32 $0x0, s21;
	[sflag:s23] =	ssyncset.done $0x0  }
0xa3: {  	[sflag:s23] =	ssyncadd.s32 s7;
	_ =	sdelay $0x1  }
0xa4: {  	s24 =	simm.s32 $0x1B8B  }
0xa5: {  	_ =	swait.ge [sflag:s24], $0x1  }
0xa6: {  	[sflag:s24] =	ssyncset.done $0x0  }
0xa7: {  	s25 =	simm.s32 $0x1B8E;
	[sflag:s24] =	ssyncadd.s32 $0xFFFFFFFF  }
0xa8: {  	s26 =	simm.s32 $execute0_lowered;
	[smem:$0x3FD2] =	sst s25  }
0xa9: {  	s7 =	sshll.u32 s26, $0x1;
	_ =	strace $0x80000046;
	[dreg:$0x1] =	wrdreg $0xFFFFFFFF  }
0xaa: {  	s28 =	simm.s32 $_size_execute0_lowered;
	s6 =	sadd.s32 s6, s7;
	[dreg:$0x0] =	wrdreg $0x0  }
0xab: {  	s7 =	sshll.u32 s28, $0x1;
	[dreg:$0x2] =	wrdreg s6  }
0xac: {  	[dreg:$0x3] =	wrdreg s7  }
0xad: {  	[dreg:$0x4] =	wrdreg $0xC0  }
0xae: {  	_ =	task [dreg:s10], $0x5FFFF  }
0xaf: {  	[dreg:$0x1] =	wrdreg $0xFFFFFFFF  }
0xb0: {  	[dreg:$0x0] =	wrdreg $0x60  }
0xb1: {  	[dreg:$0x2] =	wrdreg s2  }
0xb2: {  	[dreg:$0x3] =	wrdreg s19  }
0xb3: {  	[dreg:$0x4] =	wrdreg s4  }
0xb4: {  	[dreg:$0x5] =	wrdreg s5  }
0xb5: {  	[dreg:$0x6] =	wrdreg $0x9  }
0xb6: {  	_ =	task.clear_ibuf [dreg:s10], $0x7FFFF;
	_ =	strace $0x90000046  }
0xb7: {  	s29 =	simm.s32 $0x9;
	_ =	strace $0x80000048  }
0xb8: {  	_ =	swait.ge [sflag:s29], $0x1  }
0xb9: {  	[sflag:s29] =	ssyncadd.s32 $0xFFFFFFFF  }
0xba: {  	_ =	strace $0x90000048  }
0xbb: {  	_ =	sfence  }
0xbc: {  	s30 =	sld [smem:$0x0];
	_ =	sdelay $0x2  }
0xbd: {  	s31 =	sshll.u32 s1, $0xD;
	s1 =	sshrl.u32 s1, $0x2  }
0xbe: {  	s3 =	sand.u32 $0x4000, s31;
	s1 =	sadd.s32 s1, s30  }
0xbf: {  	s0 =	sor.u32 s3, s0;
	s1 =	sshll.u32 s1, $0x11  }
0xc0: {  	s0 =	sor.u32 s1, s0  }
0xc1: {  	s0 =	sadd.s32 $0x8F2B, s0  }
0xc2: {  	[sflag:s0] =	ssyncadd.remote.s32 $0x1  }
0xc3: {  	_ =	sfence.sel $0xFFFF  }
0xc4: {  	[dreg:$0x0] =	wrdreg $0xFFFFFFFF;
	(pc) =	sbr.abs _section_cstart, $3  }
0xc5: {  	[dreg:$0x1] =	wrdreg $0xFFFFFFFF  }
0xc6: {  	_ =	task.clear_ibuf [dreg:s10], $0x2FFFF;
	_ =	strace $0x9FFFFFFF  }
0xc7: {  	(tm) =	ssettm $0x7FFFFFFF  }
tec
execute0_lowered:
.L_overlay_start_1:
0x0: {  	(tag) =	ssettag $0x1  }
0x1: {  	s0 =	rddreg [dreg:$0x0]  }
0x2: {  	s1 =	rddreg [dreg:$0x1]  }
0x3: {  	s2 =	rddreg [dreg:$0x2]  }
0x4: {  	s3 =	rddreg [dreg:$0x3]  }
0x5: {  	s4 =	simm.s32 $0x0;
	s5 =	srdreg.scid;
	s7 =	stileid.u32  }
0x6: {  	s10 =	simm.s32 $0x80;
	s11 =	simm.s32 $0x4000;
	s12 =	simm.s32 $0x8000  }
0x7: {  	s14 =	simm.s32 $0x8080;
	s16 =	simm.s32 $0x8100;
	s15 =	simm.s32 $0x4F80  }
0x8: {  	s17 =	simm.s32 $0x8F80;
	s18 =	simm.s32 $0x1;
	s19 =	simm.s32 $0xC000  }
0x9: {  	s20 =	simm.s32 $0x10000;
	s21 =	simm.s32 $0x14000;
	s22 =	simm.s32 $0x18000  }
0xa: {  	s23 =	simm.s32 $0x2;
	s24 =	simm.s32 $0x1C080;
	s5 =	sand.u32 $0x1, s5  }
0xb: {  	s25 =	simm.s32 $0x0;
	[smem:$0x7FF] =	sst s4;
	s6 =	ssub.s32 $0x2, s5  }
0xc: {  	s7 =	sshll.u32 s7, $0x6;
	s5 =	sshll.u32 s5, $0x5;
	s8 =	sshrl.u32 s6, $0x1  }
0xd: {  	_ =	strace $0x80000047;
	s5 =	sor.u32 s5, s7;
	s29 =	ssub.s32 s6, s8  }
0xe: {  	v0 =	vlaneseq.u32;
	s30 =	sshll.u32 s5, $0x6;
	s31 =	sshll.u32 s5, $0x4;
	s8 =	simm.s32 $0x3  }
0xf: {  	v0 =	vmul.u32 $0x100, v0;
	s5 =	sadd.s32 s0, s30;
	s6 =	sadd.s32 s3, s31;
	s7 =	smax.u32 s29, $0x1  }
.LBB2_1:
0x10: {  	[tilespmem:s4], [sflag:$0x3] =	stream.linear.gather [hbm4b:s5+s4], $0x4000, $0x38;
	[tilespmem:$0x1D080] =	vst v63  }
0x11: {  	_ =	swait.ge [sflag:s8], $0x4000  }
0x12: {  	[sflag:s8] =	ssyncset.done $0x0  }
0x13: {  	s0 =	simm.s32 $0x1C000;
	s13 =	simm.s32 $0x0;
	[sflag:s8] =	ssyncadd.s32 $0xFFFFC000  }
0x14: {  	[tilespmem:s0], [sflag:$0x3] =	stream.linear.gather [hbm4b:s2+s4], $0x80, $0x38;
	[tilespmem:$0x1D080] =	vst v63  }
0x15: {  	s3 =	simm.s32 $0x0;
	s9 =	sand.u32 $0xC00, s4;
	s0 =	sand.u32 $0x3000, s13  }
0x16: {  	s3 =	sand.u32 $0x380, s3;
	_ =	swait.ge [sflag:s8], $0x80;
	s0 =	sor.u32 s9, s0  }
0x17: {  	s26 =	sand.u32 $0x70, s4;
	[sflag:s8] =	ssyncset.done $0x0;
	s0 =	sor.u32 s3, s0  }
0x18: {  	[sflag:s8] =	ssyncadd.s32 $0xFFFFFF80;
	s0 =	sor.u32 s26, s0  }
0x19: {  	v1 =	vld [tilespmem:s0+$0x0];
	_ =	sdelay $0x2  }
0x1a: {  	s28 =	sand.u32 $0x1F000, s4;
	s13 =	simm.s32 $0x80;
	s26 =	simm.s32 $0x10  }
0x1b: {  	s3 =	sand.u32 $0xC00, s13;
	s0 =	simm.s32 $0x4;
	s9 =	sand.u32 $0x3000, s26  }
0x1c: {  	s26 =	simm.s32 $0x10;
	s0 =	sand.u32 $0x380, s0;
	s3 =	sor.u32 s3, s9;
	v1 =	vadd.s32 s28, v1  }
0x1d: {  	s13 =	sand.u32 $0x70, s26;
	s0 =	sor.u32 s0, s3;
	v1 =	vadd.s32 v0, v1  }
0x1e: {  	s3 =	sor.u32 s13, s0;
	[tilespmem:s11+$0x0] =	vst v1  }
0x1f: {  	v1 =	vld [tilespmem:s3+$0x0]  }
0x20: {  	s30 =	simm.s32 $0x100  }
0x21: {  	s31 =	simm.s32 $0x3;
	s29 =	simm.s32 $0x4000;
	s28 =	simm.s32 $0x1000  }
0x22: {  	s9 =	simm.s32 $0x20;
	s0 =	simm.s32 $0x8;
	s3 =	sand.u32 $0x1F000, s28  }
.LBB2_2:
0x23: {  	p0 =	sne.s32 s31, $0x3FF;
	s9 =	sand.u32 $0x3000, s9;
	s13 =	sand.u32 $0xC00, s30  }
0x24: {  	s0 =	sand.u32 $0x380, s0;
	s26 =	sadd.s32 $0x10, s26;
	s9 =	sor.u32 s13, s9;
	v1 =	vadd.s32 s3, v1  }
0x25: {  	s29 =	sadd.s32 $0x10, s29;
	s3 =	sand.u32 $0x70, s26;
	s0 =	sor.u32 s0, s9;
	v1 =	vadd.s32 v0, v1  }
.Ltmp0:
0x26: {  	s0 =	sor.u32 s3, s0;
	[tilespmem:s29+$0x0] =	vst v1;
	(pc) =	sbr.rel @p0 .LBB2_2-.Ltmp0, $3  }
0x27: {  	v1 =	vld [tilespmem:s0+$0x0];
	_ =	sdelay $0x1  }
0x28: {  	s30 =	sadd.s32 $0x80, s30;
	s28 =	sadd.s32 $0x1000, s28;
	s0 =	sshll.u32 s31, $0x2  }
0x29: {  	s9 =	sshll.u32 s31, $0x4;
	s3 =	sand.u32 $0x1F000, s28;
	s31 =	sadd.s32 $0x1, s31  }
0x2a: {  	s9 =	sand.u32 $0x3000, s9;
	s13 =	sand.u32 $0xC00, s30  }
0x2b: {  	s0 =	sand.u32 $0x380, s0;
	s9 =	sor.u32 s13, s9;
	v1 =	vadd.s32 s3, v1;
	s13 =	sadd.s32 $0x10, s26  }
0x2c: {  	s26 =	sadd.s32 $0x10, s29;
	s0 =	sor.u32 s0, s9;
	s3 =	sand.u32 $0x70, s13;
	v1 =	vadd.s32 v0, v1  }
0x2d: {  	s0 =	sor.u32 s3, s0;
	[tilespmem:s26+$0x0] =	vst v1  }
0x2e: {  	v1 =	vld [tilespmem:s0+$0x0];
	_ =	sdelay $0x2  }
0x2f: {  	s28 =	sadd.s32 $0x1000, s28  }
0x30: {  	s0 =	sand.u32 $0x1F000, s28  }
0x31: {  	v1 =	vadd.s32 s0, v1  }
0x32: {  	s29 =	sadd.s32 $0x10, s26;
	v1 =	vadd.s32 v0, v1  }
0x33: {  	[tilespmem:s29+$0x0] =	vst v1  }
0x34: {  	[tilespmem:s12], [sflag:$0x1] =	stream.indirect.gather [hbm4b:s1+s10], $0x1, s11, s10, $0xb8;
	[tilespmem:$0x1D080] =	vst v63  }
0x35: {  	s30 =	simm.s32 $0x4080  }
0x36: {  	[tilespmem:s14], [sflag:$0x1] =	stream.indirect.gather [hbm4b:s1+s10], $0x1, s30, s10, $0xb8;
	[tilespmem:$0x1D080] =	vst v63  }
0x37: {  	s31 =	simm.s32 $0x4100  }
0x38: {  	[tilespmem:s16], [sflag:$0x1] =	stream.indirect.gather [hbm4b:s1+s10], $0x1, s31, s10, $0xb8;
	[tilespmem:$0x1D080] =	vst v63  }
0x39: {  	s9 =	simm.s32 $0x8180;
	s3 =	simm.s32 $0x4180  }
0x3a: {  	[tilespmem:s9], [sflag:$0x1] =	stream.indirect.gather [hbm4b:s1+s10], $0x1, s3, s10, $0xb8;
	[tilespmem:$0x1D080] =	vst v63  }
0x3b: {  	s13 =	simm.s32 $0x4200;
	s26 =	simm.s32 $0x8200  }
0x3c: {  	[tilespmem:s26], [sflag:$0x1] =	stream.indirect.gather [hbm4b:s1+s10], $0x1, s13, s10, $0xb8;
	[tilespmem:$0x1D080] =	vst v63  }
0x3d: {  	s28 =	simm.s32 $0x4280;
	s29 =	simm.s32 $0x8280  }
0x3e: {  	[tilespmem:s29], [sflag:$0x1] =	stream.indirect.gather [hbm4b:s1+s10], $0x1, s28, s10, $0xb8;
	[tilespmem:$0x1D080] =	vst v63  }
0x3f: {  	s30 =	simm.s32 $0x4300;
	s31 =	simm.s32 $0x8300  }
0x40: {  	[tilespmem:s31], [sflag:$0x1] =	stream.indirect.gather [hbm4b:s1+s10], $0x1, s30, s10, $0xb8;
	[tilespmem:$0x1D080] =	vst v63  }
0x41: {  	s3 =	simm.s32 $0x4380;
	s9 =	simm.s32 $0x8380  }
0x42: {  	[tilespmem:s9], [sflag:$0x1] =	stream.indirect.gather [hbm4b:s1+s10], $0x1, s3, s10, $0xb8;
	[tilespmem:$0x1D080] =	vst v63  }
0x43: {  	s13 =	simm.s32 $0x4400;
	s26 =	simm.s32 $0x8400  }
0x44: {  	[tilespmem:s26], [sflag:$0x1] =	stream.indirect.gather [hbm4b:s1+s10], $0x1, s13, s10, $0xb8;
	[tilespmem:$0x1D080] =	vst v63  }
0x45: {  	s28 =	simm.s32 $0x4480;
	s29 =	simm.s32 $0x8480  }
0x46: {  	[tilespmem:s29], [sflag:$0x1] =	stream.indirect.gather [hbm4b:s1+s10], $0x1, s28, s10, $0xb8;
	[tilespmem:$0x1D080] =	vst v63  }
0x47: {  	s30 =	simm.s32 $0x4500;
	s31 =	simm.s32 $0x8500  }
0x48: {  	[tilespmem:s31], [sflag:$0x1] =	stream.indirect.gather [hbm4b:s1+s10], $0x1, s30, s10, $0xb8;
	[tilespmem:$0x1D080] =	vst v63  }
0x49: {  	s3 =	simm.s32 $0x4580;
	s9 =	simm.s32 $0x8580  }
0x4a: {  	[tilespmem:s9], [sflag:$0x1] =	stream.indirect.gather [hbm4b:s1+s10], $0x1, s3, s10, $0xb8;
	[tilespmem:$0x1D080] =	vst v63  }
0x4b: {  	s13 =	simm.s32 $0x4600;
	s26 =	simm.s32 $0x8600  }
0x4c: {  	[tilespmem:s26], [sflag:$0x1] =	stream.indirect.gather [hbm4b:s1+s10], $0x1, s13, s10, $0xb8;
	[tilespmem:$0x1D080] =	vst v63  }
0x4d: {  	s28 =	simm.s32 $0x4680;
	s29 =	simm.s32 $0x8680  }
0x4e: {  	[tilespmem:s29], [sflag:$0x1] =	stream.indirect.gather [hbm4b:s1+s10], $0x1, s28, s10, $0xb8;
	[tilespmem:$0x1D080] =	vst v63  }
0x4f: {  	s30 =	simm.s32 $0x4700;
	s31 =	simm.s32 $0x8700  }
0x50: {  	[tilespmem:s31], [sflag:$0x1] =	stream.indirect.gather [hbm4b:s1+s10], $0x1, s30, s10, $0xb8;
	[tilespmem:$0x1D080] =	vst v63  }
0x51: {  	s3 =	simm.s32 $0x4780;
	s9 =	simm.s32 $0x8780  }
0x52: {  	[tilespmem:s9], [sflag:$0x1] =	stream.indirect.gather [hbm4b:s1+s10], $0x1, s3, s10, $0xb8;
	[tilespmem:$0x1D080] =	vst v63  }
0x53: {  	s13 =	simm.s32 $0x4800;
	s26 =	simm.s32 $0x8800  }
0x54: {  	[tilespmem:s26], [sflag:$0x1] =	stream.indirect.gather [hbm4b:s1+s10], $0x1, s13, s10, $0xb8;
	[tilespmem:$0x1D080] =	vst v63  }
0x55: {  	s28 =	simm.s32 $0x4880;
	s29 =	simm.s32 $0x8880  }
0x56: {  	[tilespmem:s29], [sflag:$0x1] =	stream.indirect.gather [hbm4b:s1+s10], $0x1, s28, s10, $0xb8;
	[tilespmem:$0x1D080] =	vst v63  }
0x57: {  	s30 =	simm.s32 $0x4900;
	s31 =	simm.s32 $0x8900  }
0x58: {  	[tilespmem:s31], [sflag:$0x1] =	stream.indirect.gather [hbm4b:s1+s10], $0x1, s30, s10, $0xb8;
	[tilespmem:$0x1D080] =	vst v63  }
0x59: {  	s3 =	simm.s32 $0x4980;
	s9 =	simm.s32 $0x8980  }
0x5a: {  	[tilespmem:s9], [sflag:$0x1] =	stream.indirect.gather [hbm4b:s1+s10], $0x1, s3, s10, $0xb8;
	[tilespmem:$0x1D080] =	vst v63  }
0x5b: {  	s13 =	simm.s32 $0x4A00;
	s26 =	simm.s32 $0x8A00  }
0x5c: {  	[tilespmem:s26], [sflag:$0x1] =	stream.indirect.gather [hbm4b:s1+s10], $0x1, s13, s10, $0xb8;
	[tilespmem:$0x1D080] =	vst v63  }
0x5d: {  	s28 =	simm.s32 $0x4A80;
	s29 =	simm.s32 $0x8A80  }
0x5e: {  	[tilespmem:s29], [sflag:$0x1] =	stream.indirect.gather [hbm4b:s1+s10], $0x1, s28, s10, $0xb8;
	[tilespmem:$0x1D080] =	vst v63  }
0x5f: {  	s30 =	simm.s32 $0x4B00;
	s31 =	simm.s32 $0x8B00  }
0x60: {  	[tilespmem:s31], [sflag:$0x1] =	stream.indirect.gather [hbm4b:s1+s10], $0x1, s30, s10, $0xb8;
	[tilespmem:$0x1D080] =	vst v63  }
0x61: {  	s3 =	simm.s32 $0x4B80;
	s9 =	simm.s32 $0x8B80  }
0x62: {  	[tilespmem:s9], [sflag:$0x1] =	stream.indirect.gather [hbm4b:s1+s10], $0x1, s3, s10, $0xb8;
	[tilespmem:$0x1D080] =	vst v63  }
0x63: {  	s13 =	simm.s32 $0x4C00;
	s26 =	simm.s32 $0x8C00  }
0x64: {  	[tilespmem:s26], [sflag:$0x1] =	stream.indirect.gather [hbm4b:s1+s10], $0x1, s13, s10, $0xb8;
	[tilespmem:$0x1D080] =	vst v63  }
0x65: {  	s28 =	simm.s32 $0x4C80;
	s29 =	simm.s32 $0x8C80  }
0x66: {  	[tilespmem:s29], [sflag:$0x1] =	stream.indirect.gather [hbm4b:s1+s10], $0x1, s28, s10, $0xb8;
	[tilespmem:$0x1D080] =	vst v63  }
0x67: {  	s30 =	simm.s32 $0x4D00;
	s31 =	simm.s32 $0x8D00  }
0x68: {  	[tilespmem:s31], [sflag:$0x1] =	stream.indirect.gather [hbm4b:s1+s10], $0x1, s30, s10, $0xb8;
	[tilespmem:$0x1D080] =	vst v63  }
0x69: {  	s3 =	simm.s32 $0x4D80;
	s9 =	simm.s32 $0x8D80  }
0x6a: {  	[tilespmem:s9], [sflag:$0x1] =	stream.indirect.gather [hbm4b:s1+s10], $0x1, s3, s10, $0xb8;
	[tilespmem:$0x1D080] =	vst v63  }
0x6b: {  	s13 =	simm.s32 $0x4E00;
	s26 =	simm.s32 $0x8E00  }
0x6c: {  	[tilespmem:s26], [sflag:$0x1] =	stream.indirect.gather [hbm4b:s1+s10], $0x1, s13, s10, $0xb8;
	[tilespmem:$0x1D080] =	vst v63  }
0x6d: {  	s28 =	simm.s32 $0x4E80;
	s29 =	simm.s32 $0x8E80  }
0x6e: {  	[tilespmem:s29], [sflag:$0x1] =	stream.indirect.gather [hbm4b:s1+s10], $0x1, s28, s10, $0xb8;
	[tilespmem:$0x1D080] =	vst v63  }
0x6f: {  	s30 =	simm.s32 $0x4F00;
	s31 =	simm.s32 $0x8F00  }
0x70: {  	[tilespmem:s31], [sflag:$0x1] =	stream.indirect.gather [hbm4b:s1+s10], $0x1, s30, s10, $0xb8;
	[tilespmem:$0x1D080] =	vst v63  }
0x71: {  	_ = 	snop  }
0x72: {  	[tilespmem:s17], [sflag:$0x1] =	stream.indirect.gather [hbm4b:s1+s10], $0x1, s15, s10, $0xb8;
	[tilespmem:$0x1D080] =	vst v63  }
0x73: {  	_ =	swait.ge [sflag:s18], $0x200  }
0x74: {  	[sflag:s18] =	ssyncset.done $0x0  }
0x75: {  	[sflag:s18] =	ssyncadd.s32 $0xFFFFFE00  }
0x76: {  	[tilespmem:s19], [sflag:$0x2] =	stream.indirect.gather [hbm4b:s2+s10], $0x80, s12, s10, $0xb8;
	[tilespmem:$0x1D080] =	vst v63  }
0x77: {  	_ = 	snop  }
0x78: {  	[tilespmem:s20], [sflag:$0x2] =	stream.indirect.gather [hbm4b:s2+s10], $0x80, s14, s10, $0xb8;
	[tilespmem:$0x1D080] =	vst v63  }
0x79: {  	s26 =	simm.s32 $0x0  }
0x7a: {  	[tilespmem:s21], [sflag:$0x2] =	stream.indirect.gather [hbm4b:s2+s10], $0x80, s16, s10, $0xb8;
	[tilespmem:$0x1D080] =	vst v63  }
.LBB2_4:
0x7b: {  	p0 =	sgt.u32 s26, $0x17  }
.Ltmp1:
0x7c: {  	_ = 	snop;
	(pc) =	sbr.rel @p0 .LBB2_6-.Ltmp1, $2  }
0x7d: {  	_ =	sdelay $0x2  }
0x7e: {  	s0 =	sshll.u32 s26, $0x9  }
0x7f: {  	s3 =	sadd.s32 $0x9000, s0;
	s9 =	sadd.s32 $0x5000, s0  }
0x80: {  	[tilespmem:s3], [sflag:$0x1] =	stream.indirect.gather [hbm4b:s1+s10], $0x1, s9, s10, $0xb8;
	[tilespmem:$0x1D080] =	vst v63  }
0x81: {  	s13 =	sadd.s32 $0x5080, s0;
	s9 =	sadd.s32 $0x9080, s0  }
0x82: {  	[tilespmem:s9], [sflag:$0x1] =	stream.indirect.gather [hbm4b:s1+s10], $0x1, s13, s10, $0xb8;
	[tilespmem:$0x1D080] =	vst v63  }
.Ltmp2:
0x83: {  	_ = 	snop;
	(pc) =	sbr.rel .LBB2_7-.Ltmp2, $4  }
0x84: {  	s28 =	sadd.s32 $0x9100, s0;
	s29 =	sadd.s32 $0x5100, s0  }
0x85: {  	[tilespmem:s28], [sflag:$0x1] =	stream.indirect.gather [hbm4b:s1+s10], $0x1, s29, s10, $0xb8;
	[tilespmem:$0x1D080] =	vst v63  }
0x86: {  	s30 =	sadd.s32 $0x9180, s0;
	s31 =	sadd.s32 $0x5180, s0  }
0x87: {  	[tilespmem:s30], [sflag:$0x1] =	stream.indirect.gather [hbm4b:s1+s10], $0x1, s31, s10, $0xb8;
	[tilespmem:$0x1D080] =	vst v63  }
.LBB2_6:
0x88: {  	p1 =	seq.s32 s26, $0x1F  }
.Ltmp3:
0x89: {  	_ = 	snop;
	(pc) =	sbr.rel @p1 .LBB2_8-.Ltmp3, $2  }
0x8a: {  	_ =	sdelay $0x2  }
0x8b: {  	p0 =	por $0x1, $0x1  }
.LBB2_7:
0x8c: {  	_ =	swait.ge [sflag:s18], $0x200  }
0x8d: {  	[sflag:s18] =	ssyncset.done $0x0  }
0x8e: {  	p0 =	por $0x0, $0x0;
	[sflag:s18] =	ssyncadd.s32 $0xFFFFFE00  }
.LBB2_8:
0x8f: {  	s28 =	sand.u32 $0x3FFFFE00, s0;
	s3 =	simm.s32 $0x0  }
0x90: {  	s0 =	sadd.s32 $0x8000, s28;
	s9 =	sand.u32 $0x180, s3  }
0x91: {  	s3 =	sand.u32 $0x70, s3;
	s9 =	sadd.s32 s9, s0  }
0x92: {  	s3 =	sadd.s32 s3, s9  }
0x93: {  	v2 =	vld [tilespmem:s3+$0x0]  }
0x94: {  	v1 =	vimm.s32 $0x0;
	s29 =	simm.s32 $0x10  }
.LBB2_9:
0x95: {  	s3 =	sand.u32 $0x180, s29  }
0x96: {  	p1 =	sne.s32 s29, $0x1F0;
	s9 =	smov.u32 s29;
	s29 =	sadd.s32 $0x10, s29  }
.Ltmp4:
0x97: {  	s9 =	sand.u32 $0x70, s9;
	s3 =	sadd.s32 s3, s0;
	(pc) =	sbr.rel @p1 .LBB2_9-.Ltmp4, $3  }
0x98: {  	s3 =	sadd.s32 s9, s3;
	vm0 =	veq.s32 v2, $0x0  }
0x99: {  	v2 =	vld [tilespmem:s3+$0x0];
	v3 =	vmpcnt.ones.xlane vm0;
	_ =	sdelay $0x1  }
0x9a: {  	v1 =	vadd.s32 v1, v3  }
0x9b: {  	v3 =	vld [tilespmem:$0x1C000]  }
0x9c: {  	v4 =	vld [tilespmem:$0x1C010]  }
0x9d: {  	v5 =	vld [tilespmem:$0x1C020]  }
0x9e: {  	v6 =	vld [tilespmem:$0x1C030]  }
0x9f: {  	v7 =	vld [tilespmem:$0x1C040]  }
0xa0: {  	v8 =	vld [tilespmem:$0x1C050]  }
0xa1: {  	v13 =	vld [tilespmem:$0x1C060];
	s0 =	sadd.s32 $0x8180, s28;
	vm0 =	veq.s32 v2, $0x0  }
0xa2: {  	v2 =	vld [tilespmem:$0x1C070];
	[tilespmem:s22], [sflag:$0x2] =	stream.indirect.gather [hbm4b:s2+s10], $0x80, s0, s10, $0xb8;
	v9 =	vmpcnt.ones.xlane vm0  }
0xa3: {  	_ =	swait.ge [sflag:s23], $0x4000  }
0xa4: {  	[sflag:s23] =	ssyncset.done $0x0;
	v1 =	vadd.s32 v1, v9  }
0xa5: {  	s31 =	simm.s32 $0x0;
	[sflag:s23] =	ssyncadd.s32 $0xFFFFC000;
	v1 =	vcvt.s32.f32 v1  }
0xa6: {  	v12 =	vld [tilespmem:s31+$0xC070]  }
0xa7: {  	v15 =	vld [tilespmem:s31+$0xC000];
	v14 =	vsub.f32 $0.0e+00, v1  }
0xa8: {  	v16 =	vld [tilespmem:s31+$0xC010]  }
0xa9: {  	v9 =	vld [tilespmem:s31+$0xC020];
	v17 =	vmul.f32 v3, v14  }
0xaa: {  	v10 =	vld [tilespmem:s31+$0xC030];
	v18 =	vmul.f32 v4, v14;
	v1 =	vmul.f32 v2, v14  }
0xab: {  	v11 =	vld [tilespmem:s31+$0xC040];
	v3 =	vmul.f32 v5, v14;
	v4 =	vmul.f32 v6, v14  }
0xac: {  	v5 =	vmul.f32 v7, v14;
	v6 =	vmul.f32 v8, v14;
	v1 =	vadd.f32 v12, v1;
	v12 =	vld [tilespmem:s31+$0xC050]  }
0xad: {  	s29 =	simm.s32 $0x80;
	s30 =	simm.s32 $0x400;
	v7 =	vmul.f32 v13, v14;
	v13 =	vld [tilespmem:s31+$0xC060];
	v2 =	vadd.f32 v15, v17;
	v8 =	vadd.f32 v16, v18  }
.LBB2_11:
0xae: {  	p1 =	sne.s32 s30, $0xFE00;
	v14 =	vld [tilespmem:s29+$0xC070];
	v3 =	vadd.f32 v9, v3  }
0xaf: {  	v15 =	vld [tilespmem:s29+$0xC000];
	v4 =	vadd.f32 v10, v4  }
0xb0: {  	v16 =	vld [tilespmem:s29+$0xC010];
	v5 =	vadd.f32 v11, v5  }
.Ltmp5:
0xb1: {  	v9 =	vld [tilespmem:s29+$0xC020];
	v6 =	vadd.f32 v12, v6;
	(pc) =	sbr.rel @p1 .LBB2_11-.Ltmp5, $4  }
0xb2: {  	v10 =	vld [tilespmem:s29+$0xC030];
	v7 =	vadd.f32 v13, v7  }
0xb3: {  	v11 =	vld [tilespmem:s29+$0xC040];
	v1 =	vadd.f32 v14, v1  }
0xb4: {  	v2 =	vadd.f32 v15, v2;
	v12 =	vld [tilespmem:s29+$0xC050]  }
0xb5: {  	v8 =	vadd.f32 v16, v8;
	v13 =	vld [tilespmem:s29+$0xC060];
	s29 =	sshra.s32 s30, $0x2;
	s30 =	sadd.s32 $0x200, s30  }
0xb6: {  	v14 =	vld [tilespmem:s29+$0xC070]  }
0xb7: {  	v15 =	vld [tilespmem:s29+$0xC000]  }
0xb8: {  	v16 =	vld [tilespmem:s29+$0xC010]  }
0xb9: {  	v17 =	vld [tilespmem:s29+$0xC020]  }
0xba: {  	v18 =	vld [tilespmem:s29+$0xC030]  }
0xbb: {  	v19 =	vld [tilespmem:s29+$0xC040]  }
0xbc: {  	v20 =	vld [tilespmem:s29+$0xC050];
	s0 =	sadd.s32 @!p0 $0x8200, s28;
	s3 =	simm.s32 @!p0 $0x80;
	s9 =	simm.s32 @!p0 $0xC000  }
0xbd: {  	v21 =	vld [tilespmem:s29+$0xC060];
	[tilespmem:s9], [sflag:$0x2] =	stream.indirect.gather @!p0 [hbm4b:s2+s3], $0x80, s0, s3, $0xb8  }
0xbe: {  	_ =	swait.ge [sflag:s23], $0x4000  }
0xbf: {  	[sflag:s23] =	ssyncset.done $0x0  }
0xc0: {  	s31 =	simm.s32 $0x0;
	[sflag:s23] =	ssyncadd.s32 $0xFFFFC000  }
0xc1: {  	v3 =	vadd.f32 v9, v3;
	v4 =	vadd.f32 v10, v4;
	v22 =	vld [tilespmem:s31+$0x10070]  }
0xc2: {  	v5 =	vadd.f32 v11, v5;
	v6 =	vadd.f32 v12, v6;
	v23 =	vld [tilespmem:s31+$0x10000]  }
0xc3: {  	v7 =	vadd.f32 v13, v7;
	v12 =	vadd.f32 v14, v1;
	v13 =	vld [tilespmem:s31+$0x10010]  }
0xc4: {  	v14 =	vadd.f32 v15, v2;
	v8 =	vadd.f32 v16, v8;
	v9 =	vld [tilespmem:s31+$0x10020]  }
0xc5: {  	v1 =	vadd.f32 v17, v3;
	v2 =	vadd.f32 v18, v4;
	v10 =	vld [tilespmem:s31+$0x10030]  }
0xc6: {  	v3 =	vadd.f32 v19, v5;
	v4 =	vadd.f32 v20, v6;
	v11 =	vld [tilespmem:s31+$0x10040]  }
0xc7: {  	v5 =	vadd.f32 v21, v7;
	v6 =	vadd.f32 v22, v12;
	v12 =	vld [tilespmem:s31+$0x10050]  }
0xc8: {  	s29 =	simm.s32 $0x80;
	s30 =	simm.s32 $0x400;
	v7 =	vadd.f32 v23, v14;
	v8 =	vadd.f32 v13, v8;
	v13 =	vld [tilespmem:s31+$0x10060]  }
.LBB2_13:
0xc9: {  	p1 =	sne.s32 s30, $0xFE00;
	v14 =	vld [tilespmem:s29+$0x10070];
	v1 =	vadd.f32 v9, v1  }
0xca: {  	v15 =	vld [tilespmem:s29+$0x10000];
	v2 =	vadd.f32 v10, v2  }
0xcb: {  	v16 =	vld [tilespmem:s29+$0x10010];
	v3 =	vadd.f32 v11, v3  }
.Ltmp6:
0xcc: {  	v9 =	vld [tilespmem:s29+$0x10020];
	v4 =	vadd.f32 v12, v4;
	(pc) =	sbr.rel @p1 .LBB2_13-.Ltmp6, $4  }
0xcd: {  	v10 =	vld [tilespmem:s29+$0x10030];
	v5 =	vadd.f32 v13, v5  }
0xce: {  	v11 =	vld [tilespmem:s29+$0x10040];
	v6 =	vadd.f32 v14, v6  }
0xcf: {  	v7 =	vadd.f32 v15, v7;
	v12 =	vld [tilespmem:s29+$0x10050]  }
0xd0: {  	v8 =	vadd.f32 v16, v8;
	v13 =	vld [tilespmem:s29+$0x10060];
	s29 =	sshra.s32 s30, $0x2;
	s30 =	sadd.s32 $0x200, s30  }
0xd1: {  	v14 =	vld [tilespmem:s29+$0x10070]  }
0xd2: {  	v15 =	vld [tilespmem:s29+$0x10000]  }
0xd3: {  	v16 =	vld [tilespmem:s29+$0x10010]  }
0xd4: {  	v17 =	vld [tilespmem:s29+$0x10020]  }
0xd5: {  	v18 =	vld [tilespmem:s29+$0x10030]  }
0xd6: {  	v19 =	vld [tilespmem:s29+$0x10040]  }
0xd7: {  	v20 =	vld [tilespmem:s29+$0x10050];
	s0 =	sadd.s32 @!p0 $0x8280, s28;
	s3 =	simm.s32 @!p0 $0x80;
	s9 =	simm.s32 @!p0 $0x10000  }
0xd8: {  	v21 =	vld [tilespmem:s29+$0x10060];
	[tilespmem:s9], [sflag:$0x2] =	stream.indirect.gather @!p0 [hbm4b:s2+s3], $0x80, s0, s3, $0xb8  }
0xd9: {  	_ =	swait.ge [sflag:s23], $0x4000  }
0xda: {  	[sflag:s23] =	ssyncset.done $0x0  }
0xdb: {  	s31 =	simm.s32 $0x0;
	[sflag:s23] =	ssyncadd.s32 $0xFFFFC000  }
0xdc: {  	v1 =	vadd.f32 v9, v1;
	v2 =	vadd.f32 v10, v2;
	v22 =	vld [tilespmem:s31+$0x14070]  }
0xdd: {  	v3 =	vadd.f32 v11, v3;
	v4 =	vadd.f32 v12, v4;
	v23 =	vld [tilespmem:s31+$0x14000]  }
0xde: {  	v5 =	vadd.f32 v13, v5;
	v6 =	vadd.f32 v14, v6;
	v13 =	vld [tilespmem:s31+$0x14010]  }
0xdf: {  	v7 =	vadd.f32 v15, v7;
	v8 =	vadd.f32 v16, v8;
	v9 =	vld [tilespmem:s31+$0x14020]  }
0xe0: {  	v1 =	vadd.f32 v17, v1;
	v2 =	vadd.f32 v18, v2;
	v10 =	vld [tilespmem:s31+$0x14030]  }
0xe1: {  	v3 =	vadd.f32 v19, v3;
	v4 =	vadd.f32 v20, v4;
	v11 =	vld [tilespmem:s31+$0x14040]  }
0xe2: {  	v12 =	vld [tilespmem:s31+$0x14050];
	v5 =	vadd.f32 v21, v5;
	v6 =	vadd.f32 v22, v6  }
0xe3: {  	s29 =	simm.s32 $0x80;
	s30 =	simm.s32 $0x400;
	v7 =	vadd.f32 v23, v7;
	v8 =	vadd.f32 v13, v8;
	v13 =	vld [tilespmem:s31+$0x14060]  }
.LBB2_15:
0xe4: {  	p1 =	sne.s32 s30, $0xFE00;
	v14 =	vld [tilespmem:s29+$0x14070];
	v1 =	vadd.f32 v9, v1  }
0xe5: {  	v15 =	vld [tilespmem:s29+$0x14000];
	v2 =	vadd.f32 v10, v2  }
0xe6: {  	v16 =	vld [tilespmem:s29+$0x14010];
	v3 =	vadd.f32 v11, v3  }
.Ltmp7:
0xe7: {  	v9 =	vld [tilespmem:s29+$0x14020];
	v4 =	vadd.f32 v12, v4;
	(pc) =	sbr.rel @p1 .LBB2_15-.Ltmp7, $4  }
0xe8: {  	v10 =	vld [tilespmem:s29+$0x14030];
	v5 =	vadd.f32 v13, v5  }
0xe9: {  	v11 =	vld [tilespmem:s29+$0x14040];
	v6 =	vadd.f32 v14, v6  }
0xea: {  	v7 =	vadd.f32 v15, v7;
	v12 =	vld [tilespmem:s29+$0x14050]  }
0xeb: {  	v8 =	vadd.f32 v16, v8;
	v13 =	vld [tilespmem:s29+$0x14060];
	s29 =	sshra.s32 s30, $0x2;
	s30 =	sadd.s32 $0x200, s30  }
0xec: {  	v14 =	vld [tilespmem:s29+$0x14070]  }
0xed: {  	v15 =	vld [tilespmem:s29+$0x14000]  }
0xee: {  	v16 =	vld [tilespmem:s29+$0x14010]  }
0xef: {  	v17 =	vld [tilespmem:s29+$0x14020]  }
0xf0: {  	v18 =	vld [tilespmem:s29+$0x14030]  }
0xf1: {  	v19 =	vld [tilespmem:s29+$0x14040]  }
0xf2: {  	v20 =	vld [tilespmem:s29+$0x14050];
	s0 =	sadd.s32 @!p0 $0x8300, s28;
	s3 =	simm.s32 @!p0 $0x80;
	s9 =	simm.s32 @!p0 $0x14000  }
0xf3: {  	v21 =	vld [tilespmem:s29+$0x14060];
	[tilespmem:s9], [sflag:$0x2] =	stream.indirect.gather @!p0 [hbm4b:s2+s3], $0x80, s0, s3, $0xb8  }
0xf4: {  	_ =	swait.ge [sflag:s23], $0x4000  }
0xf5: {  	[sflag:s23] =	ssyncset.done $0x0  }
0xf6: {  	s31 =	simm.s32 $0x0;
	[sflag:s23] =	ssyncadd.s32 $0xFFFFC000  }
0xf7: {  	v1 =	vadd.f32 v9, v1;
	v2 =	vadd.f32 v10, v2;
	v9 =	vld [tilespmem:s31+$0x18070]  }
0xf8: {  	v3 =	vadd.f32 v11, v3;
	v10 =	vadd.f32 v12, v4;
	v12 =	vld [tilespmem:s31+$0x18000]  }
0xf9: {  	v13 =	vadd.f32 v13, v5;
	v14 =	vadd.f32 v14, v6;
	v22 =	vld [tilespmem:s31+$0x18010]  }
0xfa: {  	v15 =	vadd.f32 v15, v7;
	v16 =	vadd.f32 v16, v8;
	v11 =	vld [tilespmem:s31+$0x18020]  }
0xfb: {  	v6 =	vadd.f32 v17, v1;
	v5 =	vadd.f32 v18, v2;
	v7 =	vld [tilespmem:s31+$0x18030]  }
0xfc: {  	v4 =	vadd.f32 v19, v3;
	v3 =	vadd.f32 v20, v10;
	v8 =	vld [tilespmem:s31+$0x18040]  }
0xfd: {  	v2 =	vadd.f32 v21, v13;
	v1 =	vadd.f32 v9, v14;
	v9 =	vld [tilespmem:s31+$0x18050]  }
0xfe: {  	s28 =	simm.s32 $0x80;
	s29 =	simm.s32 $0x400;
	v13 =	vadd.f32 v12, v15;
	v10 =	vadd.f32 v22, v16;
	v12 =	vld [tilespmem:s31+$0x18060]  }
.LBB2_17:
0xff: {  	p0 =	sne.s32 s29, $0xFE00;
	v14 =	vld [tilespmem:s28+$0x18070];
	v6 =	vadd.f32 v11, v6  }
0x100: {  	v15 =	vld [tilespmem:s28+$0x18000];
	v5 =	vadd.f32 v7, v5  }
0x101: {  	v16 =	vld [tilespmem:s28+$0x18010];
	v4 =	vadd.f32 v8, v4  }
.Ltmp8:
0x102: {  	v11 =	vld [tilespmem:s28+$0x18020];
	v3 =	vadd.f32 v9, v3;
	(pc) =	sbr.rel @p0 .LBB2_17-.Ltmp8, $4  }
0x103: {  	v7 =	vld [tilespmem:s28+$0x18030];
	v2 =	vadd.f32 v12, v2  }
0x104: {  	v8 =	vld [tilespmem:s28+$0x18040];
	v1 =	vadd.f32 v14, v1  }
0x105: {  	v13 =	vadd.f32 v15, v13;
	v9 =	vld [tilespmem:s28+$0x18050]  }
0x106: {  	v10 =	vadd.f32 v16, v10;
	v12 =	vld [tilespmem:s28+$0x18060];
	s28 =	sshra.s32 s29, $0x2;
	s29 =	sadd.s32 $0x200, s29  }
0x107: {  	v15 =	vld [tilespmem:s28+$0x18000]  }
0x108: {  	v16 =	vld [tilespmem:s28+$0x18010]  }
0x109: {  	v17 =	vld [tilespmem:s28+$0x18020]  }
0x10a: {  	v18 =	vld [tilespmem:s28+$0x18030]  }
0x10b: {  	v19 =	vld [tilespmem:s28+$0x18040]  }
0x10c: {  	v6 =	vadd.f32 v11, v6;
	v61 =	vld [tilespmem:s28+$0x18050];
	s0 =	sshll.u32 s26, $0x7;
	v60 =	vadd.f32 v15, v13  }
0x10d: {  	v14 =	vld [tilespmem:s28+$0x18070];
	v5 =	vadd.f32 v7, v5;
	s0 =	sand.u32 $0x3FFFFF80, s0;
	v63 =	vadd.f32 v16, v10  }
0x10e: {  	v62 =	vld [tilespmem:s28+$0x18060];
	v4 =	vadd.f32 v8, v4;
	v6 =	vadd.f32 v17, v6;
	[tilespmem:s0+$0x1C080] =	vst v60  }
0x10f: {  	s26 =	sadd.s32 $0x1, s26;
	v3 =	vadd.f32 v9, v3;
	v5 =	vadd.f32 v18, v5;
	[tilespmem:s0+$0x1C090] =	vst v63  }
0x110: {  	p0 =	sne.s32 s26, $0x20;
	v4 =	vadd.f32 v19, v4;
	[tilespmem:s0+$0x1C0A0] =	vst v6  }
.Ltmp9:
0x111: {  	v2 =	vadd.f32 v12, v2;
	v3 =	vadd.f32 v61, v3;
	[tilespmem:s0+$0x1C0B0] =	vst v5;
	(pc) =	sbr.rel @p0 .LBB2_4-.Ltmp9, $4  }
0x112: {  	v1 =	vadd.f32 v14, v1;
	[tilespmem:s0+$0x1C0C0] =	vst v4  }
0x113: {  	v2 =	vadd.f32 v62, v2;
	[tilespmem:s0+$0x1C0D0] =	vst v3  }
0x114: {  	[tilespmem:s0+$0x1C0F0] =	vst v1  }
0x115: {  	[tilespmem:s0+$0x1C0E0] =	vst v2  }
0x116: {  	s25 =	sadd.s32 $0x1, s25  }
0x117: {  	p0 =	sne.s32 s25, s7  }
.Ltmp10:
0x118: {  	_ = 	snop;
	(pc) =	sbr.rel @p0 .LBB2_1-.Ltmp10, $4  }
0x119: {  	[hbm4b:s6+s4] =	stream.linear.scatter [tilespmem:s24], [sflag:$0x3], $0x1000, $0x38;
	[tilespmem:$0x1D080] =	vst v63  }
0x11a: {  	_ =	swait.ge [sflag:s8], $0x1000  }
0x11b: {  	[sflag:s8] =	ssyncset.done $0x0  }
0x11c: {  	[sflag:s8] =	ssyncadd.s32 $0xFFFFF000  }
0x11d: {  	_ =	sfence.sel $0x180000  }
0x11e: {  	[bflag:$0x0] =	sbarrier.arrive $0xFFFF  }
0x11f: {  	_ =	strace $0x90000047  }
0x120: {  	s0 =	stileid.u32;
	[bflag:$0x2] =	sbarrier.arrive $0xFFFF  }
0x121: {  	p0 =	sne.s32 s0, $0x0;
	s0 =	rddreg [dreg:$0x4]  }
0x122: {  	s0 =	sadd.s32 @!p0 $0x100000, s0  }
0x123: {  	[sflag:s0] =	ssyncadd.tile.s32 @!p0 $0x1;
	_ =	shalt  }
.Lfunc_end2:
_tile_overlayer_lowered:
.L_overlay_start_2:
0x124: {  	(tag) =	ssettag $0x2  }
0x125: {  	s0 =	rddreg [dreg:$0x0];
	s2 =	stileid.u32  }
0x126: {  	s1 =	rddreg [dreg:$0x1];
	p0 =	sne.s32 s2, $0x0  }
0x127: {  	s3 =	rddreg [dreg:$0x2];
	[bflag:$0x3] =	sbarrier.arrive $0xFFFF;
	s2 =	simm.s32 @!p0 $0x1C03  }
0x128: {  	[timem:s3], [sflag:s2] =	dma.local @!p0 [hbm:s0], s1  }
0x129: {  	s0 =	simm.s32 @!p0 $0x3  }
0x12a: {  	_ =	swait.ge @!p0 [sflag:s0], s1  }
0x12b: {  	s1 =	ssub.s32 @!p0 $0x0, s1;
	[sflag:s0] =	ssyncset.done @!p0 $0x0  }
0x12c: {  	[sflag:s0] =	ssyncadd.s32 @!p0 s1  }
0x12d: {  	[bflag:$0x3] =	sbarrier.arrive $0xFFFF  }
0x12e: {  	_ =	shalt  }

</sc_bundles>
